<compile_context>
chip_gen: v7x
topology: tpu7x:2x2x1
jax: 0.10.2.dev20260603
libtpu: 0.0.44.dev20260713+nightly
codegen_flags: <defaults>
</compile_context>

<pallas_src>
import functools

import jax
import jax.numpy as jnp
from jax import lax
from jax.experimental import pallas as pl
from jax.experimental.pallas import tpu as pltpu
from jax.experimental.pallas import tpu_sc as plsc

NC = 2
NS = 16
NW = NC * NS
CHUNK = 128
GRP = 1
NBUF = 2
DEGW = 16


def _sc_aggregate_build(n_acc, half, nchunk, with_deg):
    rpt = n_acc // NS

    out_type = [jax.ShapeDtypeStruct((NC * n_acc, half), jnp.float32)]
    scratch = [
        pltpu.VMEM((nchunk, CHUNK), jnp.int32),
        pltpu.VMEM((nchunk, CHUNK), jnp.int32),
        pltpu.VMEM((NBUF, CHUNK, half), jnp.float32),
        pltpu.VMEM_SHARED((n_acc, half), jnp.float32),
    ] + [pltpu.SemaphoreType.DMA] * NBUF
    if with_deg:
        out_type.append(jax.ShapeDtypeStruct((NC * n_acc, DEGW), jnp.float32))
        scratch.append(pltpu.VMEM((CHUNK, DEGW), jnp.float32))
        scratch.append(pltpu.VMEM_SHARED((n_acc, DEGW), jnp.float32))

    mesh = plsc.VectorSubcoreMesh(core_axis_name="c", subcore_axis_name="s")

    def body(h_hbm, src_hbm, dst_hbm, zeros_hbm, zeros16_hbm, ones_hbm,
             *refs):
        if with_deg:
            (c_out, d_out, src_v, dst_v, rows_v, acc_s, *sems,
             ones_v, deg_s) = refs
        else:
            (c_out, src_v, dst_v, rows_v, acc_s, *sems) = refs
        gsem = sems
        cid = lax.axis_index("c")
        sid = lax.axis_index("s")
        wid = cid * NS + sid
        r0 = sid * rpt

        ngroups = nchunk // GRP

        def sidx(g):
            return src_v.at[g]

        def didx(g):
            return dst_v.at[g]

        pltpu.sync_copy(src_hbm.at[wid], src_v)
        for b in range(NBUF):
            pltpu.async_copy(h_hbm.at[sidx(b)], rows_v.at[b], gsem[b])

        pltpu.sync_copy(zeros_hbm.at[pl.ds(r0, rpt)], acc_s.at[pl.ds(r0, rpt)])
        if with_deg:
            pltpu.sync_copy(zeros16_hbm.at[pl.ds(r0, rpt)],
                            deg_s.at[pl.ds(r0, rpt)])
            pltpu.sync_copy(ones_hbm, ones_v)
        pltpu.sync_copy(dst_hbm.at[wid], dst_v)
        plsc.subcore_barrier()

        def step(s, carry):
            for b in range(NBUF):
                g = s * NBUF + b
                pltpu.make_async_copy(
                    h_hbm.at[sidx(g)], rows_v.at[b], gsem[b]).wait()
                pltpu.sync_copy(rows_v.at[b], acc_s.at[didx(g)], add=True)
                if with_deg:
                    pltpu.sync_copy(ones_v, deg_s.at[didx(g)], add=True)

                @pl.when(g + NBUF < ngroups)
                def _():
                    pltpu.async_copy(
                        h_hbm.at[sidx(g + NBUF)], rows_v.at[b], gsem[b])
            return carry

        lax.fori_loop(0, ngroups // NBUF, step, 0)
        plsc.subcore_barrier()

        base = cid * n_acc + r0
        pltpu.sync_copy(acc_s.at[pl.ds(r0, rpt)], c_out.at[pl.ds(base, rpt)])
        if with_deg:
            pltpu.sync_copy(deg_s.at[pl.ds(r0, rpt)],
                            d_out.at[pl.ds(base, rpt)])

    return pl.kernel(body, out_type=out_type, scratch_types=scratch,
                     mesh=mesh,
                     compiler_params=pltpu.CompilerParams(
                         use_tc_tiling_on_sc=False))


def _tc_layer_body(act, h_ref, cl_ref, cr_ref, dg_ref, w_ref, b_ref, o_ref):
    c = jnp.concatenate([cl_ref[...], cr_ref[...]], axis=1)
    deg = dg_ref[:, 0:1]
    c = c / jnp.maximum(deg, 1.0)
    h = h_ref[...]
    dh = h.shape[1]
    bundle = (jnp.dot(h, w_ref[:dh, :], preferred_element_type=jnp.float32)
              + jnp.dot(c, w_ref[dh:, :], preferred_element_type=jnp.float32)
              + b_ref[...])
    nrm = jnp.maximum(
        jnp.sqrt(jnp.sum(bundle * bundle, axis=1, keepdims=True)), 1e-12)
    bundle = bundle / nrm
    if act:
        bundle = jnp.maximum(bundle, 0.0)
    o_ref[...] = bundle


def _tc_layer(h, cl, cr, dg, w, b, act, block_rows):
    n, d = h.shape
    half = d // 2
    grid = (n // block_rows,)
    row_spec = pl.BlockSpec((block_rows, d), lambda i: (i, 0))
    half_spec = pl.BlockSpec((block_rows, half), lambda i: (i, 0))
    deg_spec = pl.BlockSpec((block_rows, DEGW), lambda i: (i, 0))
    return pl.pallas_call(
        functools.partial(_tc_layer_body, act),
        grid=grid,
        in_specs=[
            row_spec, half_spec, half_spec, deg_spec,
            pl.BlockSpec((2 * d, d), lambda i: (0, 0)),
            pl.BlockSpec((1, d), lambda i: (0, 0)),
        ],
        out_specs=row_spec,
        out_shape=jax.ShapeDtypeStruct((n, d), jnp.float32),
    )(h, cl, cr, dg, w, b.reshape(1, d))


def kernel(x, edge_index, W0, b0, W1, b1, W2, b2):
    n, d = x.shape
    e = edge_index.shape[1]
    half = d // 2

    per = -(-e // NS)
    q = GRP * NBUF
    nchunk = -(-(-(-per // CHUNK)) // q) * q
    pt = nchunk * CHUNK
    src = edge_index[0]
    dst = edge_index[1]
    pad_total = NS * pt - e
    src_t = jnp.concatenate(
        [src, jnp.zeros((pad_total,), jnp.int32)]).reshape(NS, nchunk, CHUNK)
    dst_t = jnp.concatenate(
        [dst, jnp.full((pad_total,), n, jnp.int32)]).reshape(NS, nchunk, CHUNK)
    src_p = jnp.stack([src_t, src_t + n]).reshape(NW, nchunk, CHUNK)
    dst_p = jnp.tile(dst_t[None], (NC, 1, 1, 1)).reshape(NW, nchunk, CHUNK)

    n_acc = -(-(n + 1) // (NS * 8)) * (NS * 8)
    zeros = jnp.zeros((n_acc, half), jnp.float32)
    zeros16 = jnp.zeros((n_acc, DEGW), jnp.float32)
    ones = jnp.ones((CHUNK, DEGW), jnp.float32)

    agg_deg = _sc_aggregate_build(n_acc, half, nchunk, True)
    agg = _sc_aggregate_build(n_acc, half, nchunk, False)

    block_rows = 1000 if n % 1000 == 0 else 8

    def fsplit(h):
        return h.reshape(n, 2, half).transpose(1, 0, 2).reshape(
            2 * n, half)

    def chalves(c_flat):
        cp = c_flat.reshape(NC, n_acc, half)
        return cp[0, :n], cp[1, :n]

    c_flat, d_flat = agg_deg(fsplit(x), src_p, dst_p, zeros, zeros16, ones)
    cl, cr = chalves(c_flat)
    dg = d_flat.reshape(NC, n_acc, DEGW)[0, :n]
    h = _tc_layer(x, cl, cr, dg, W0, b0, True, block_rows)

    (c_flat,) = agg(fsplit(h), src_p, dst_p, zeros, zeros16, ones)
    cl, cr = chalves(c_flat)
    h = _tc_layer(h, cl, cr, dg, W1, b1, True, block_rows)

    (c_flat,) = agg(fsplit(h), src_p, dst_p, zeros, zeros16, ones)
    cl, cr = chalves(c_flat)
    h = _tc_layer(h, cl, cr, dg, W2, b2, False, block_rows)
    return h

# --- scband reference (transcript-rebuilt; emitter-appended) ---
"""Pipeline reference for scband-graph-sage-70265664963123 (READ-ONLY COPY).

The authoritative reference and input builder live on the scoring server;
editing this copy changes nothing except your own understanding.
"""

import jax, jax.numpy as jnp
import numpy as np

N = 10000
E = 320000
D = 128

def setup_inputs(seed: int = 0):
    key = jax.random.key(seed)
    ks = jax.random.split(key, 9)
    x = jax.random.normal(ks[0], (N, D), dtype=jnp.float32)
    edge_index = jax.random.randint(ks[1], (2, E), 0, N, dtype=jnp.int32)
    scale = 1.0 / np.sqrt(2 * D)
    # 3 GraphSage layers: in->hidden, hidden->hidden, hidden->classes
    W0 = jax.random.normal(ks[2], (2 * D, D), dtype=jnp.float32) * scale
    b0 = jnp.zeros((D,), dtype=jnp.float32)
    W1 = jax.random.normal(ks[3], (2 * D, D), dtype=jnp.float32) * scale
    b1 = jnp.zeros((D,), dtype=jnp.float32)
    W2 = jax.random.normal(ks[4], (2 * D, D), dtype=jnp.float32) * scale
    b2 = jnp.zeros((D,), dtype=jnp.float32)
    return {"x": x, "edge_index": edge_index, "W0": W0, "b0": b0, "W1": W1, "b1": b1, "W2": W2, "b2": b2}

def _sage_layer(h, src, dst, W, b, use_act):
    # MeanAggregator: mean of incoming messages (copy_src of h)
    m = jnp.take(h, src, axis=0)                       # gather over edges
    deg = jax.ops.segment_sum(jnp.ones((src.shape[0],), jnp.float32), dst, num_segments=N)
    c = jax.ops.segment_sum(m, dst, num_segments=N)    # scatter-add
    c = c / jnp.maximum(deg, 1.0)[:, None]
    # Bundler: concat(self, neigh) -> linear -> L2 normalize -> activation
    bundle = jnp.concatenate([h, c], axis=1) @ W + b
    nrm = jnp.maximum(jnp.sqrt(jnp.sum(bundle * bundle, axis=1, keepdims=True)), 1e-12)
    bundle = bundle / nrm
    if use_act:
        bundle = jax.nn.relu(bundle)
    return bundle

def reference(x, edge_index, W0, b0, W1, b1, W2, b2):
    src = edge_index[0]
    dst = edge_index[1]
    h = _sage_layer(x, src, dst, W0, b0, True)
    h = _sage_layer(h, src, dst, W1, b1, True)
    h = _sage_layer(h, src, dst, W2, b2, False)  # last layer: no activation
    return h

if __name__ == "__main__":
    import jax
    _d = setup_inputs()
    print(jax.jit(kernel)(*tuple(_d.values())))

</pallas_src>

<mosaic_0001>
#map = affine_map<(d0, d1) -> (0, 0)>
#map1 = affine_map<(d0, d1) -> (0, 0, 0)>
module attributes {stable_mosaic.version = 14 : i64} {
  func.func @body(%arg0: i32, %arg1: i32, %arg2: memref<20000x64xf32, #tpu.memory_space<hbm>>, %arg3: memref<32x158x128xi32, #tpu.memory_space<hbm>>, %arg4: memref<32x158x128xi32, #tpu.memory_space<hbm>>, %arg5: memref<10112x64xf32, #tpu.memory_space<hbm>>, %arg6: memref<10112x16xf32, #tpu.memory_space<hbm>>, %arg7: memref<128x16xf32, #tpu.memory_space<hbm>>, %arg8: memref<20224x64xf32, #tpu.memory_space<hbm>>, %arg9: memref<158x128xi32, #tpu.memory_space<vmem>>, %arg10: memref<158x128xi32, #tpu.memory_space<vmem>>, %arg11: memref<2x128x64xf32, #tpu.memory_space<vmem>>, %arg12: memref<10112x64xf32, #tpu.memory_space<vmem_shared>>, %arg13: memref<!tpu.dma_semaphore, #tpu.memory_space<semaphore_mem>>, %arg14: memref<!tpu.dma_semaphore, #tpu.memory_space<semaphore_mem>>) attributes {dimension_semantics = [#tpu.dimension_semantics<core_parallel>, #tpu.dimension_semantics<subcore_parallel>], iteration_bounds = array<i64: 2, 16>, scalar_prefetch = 0 : i64, scratch_operands = 6 : i64, tpu.core_type = #tpu.core_type<sc_vector_subcore>, window_params = [{transform_indices = #map}, {transform_indices = #map1}, {transform_indices = #map1}, {transform_indices = #map}, {transform_indices = #map}, {transform_indices = #map}, {transform_indices = #map}]} {
    %mul3A = arith.constant 16 : i32
    %mul3A_0 = arith.muli %arg0, %mul3A : i32
    %add3A = arith.addi %mul3A_0, %arg1 : i32
    %mul3A_1 = arith.constant 632 : i32
    %mul3A_2 = arith.muli %arg1, %mul3A_1 : i32
    "tpu.region"() ({
      %run_scoped3A = tpu.sem_alloc : memref<!tpu.dma_semaphore, #tpu.memory_space<semaphore_mem>>
      %dma_start3A_35 = arith.constant 0 : i32
      %dma_start3A_36 = arith.constant 0 : i32
      %dma_start3A_37 = tpu.memref_slice %arg3[%add3A, %dma_start3A_35, %dma_start3A_36] : memref<32x158x128xi32, #tpu.memory_space<hbm>> -> memref<1x158x128xi32, #tpu.memory_space<hbm>>
      %dma_start3A_38 = tpu.memref_squeeze %dma_start3A_37 : memref<1x158x128xi32, #tpu.memory_space<hbm>> -> memref<158x128xi32, #tpu.memory_space<hbm>>
      %dma_start3A_39 = arith.constant 0 : i32
      %dma_start3A_40 = arith.constant 0 : i32
      %dma_start3A_41 = tpu.memref_slice %arg3[%add3A, %dma_start3A_39, %dma_start3A_40] : memref<32x158x128xi32, #tpu.memory_space<hbm>> -> memref<1x158x128xi32, #tpu.memory_space<hbm>>
      %dma_start3A_42 = tpu.memref_squeeze %dma_start3A_41 : memref<1x158x128xi32, #tpu.memory_space<hbm>> -> memref<158x128xi32, #tpu.memory_space<hbm>>
      tpu.enqueue_dma source(%dma_start3A_42 : memref<158x128xi32, #tpu.memory_space<hbm>>) target(%arg9 : memref<158x128xi32, #tpu.memory_space<vmem>>) target_semaphore(%run_scoped3A : memref<!tpu.dma_semaphore, #tpu.memory_space<semaphore_mem>>)
      %dma_wait3A = arith.constant 0 : i32
      %dma_wait3A_43 = arith.constant 0 : i32
      %dma_wait3A_44 = tpu.memref_slice %arg3[%add3A, %dma_wait3A, %dma_wait3A_43] : memref<32x158x128xi32, #tpu.memory_space<hbm>> -> memref<1x158x128xi32, #tpu.memory_space<hbm>>
      %dma_wait3A_45 = tpu.memref_squeeze %dma_wait3A_44 : memref<1x158x128xi32, #tpu.memory_space<hbm>> -> memref<158x128xi32, #tpu.memory_space<hbm>>
      %dma_wait3A_46 = arith.constant 0 : i32
      %dma_wait3A_47 = arith.constant 0 : i32
      %dma_wait3A_48 = tpu.memref_slice %arg3[%add3A, %dma_wait3A_46, %dma_wait3A_47] : memref<32x158x128xi32, #tpu.memory_space<hbm>> -> memref<1x158x128xi32, #tpu.memory_space<hbm>>
      %dma_wait3A_49 = tpu.memref_squeeze %dma_wait3A_48 : memref<1x158x128xi32, #tpu.memory_space<hbm>> -> memref<158x128xi32, #tpu.memory_space<hbm>>
      tpu.wait_dma2 semaphore(%run_scoped3A : memref<!tpu.dma_semaphore, #tpu.memory_space<semaphore_mem>>) src(%dma_wait3A_49 : memref<158x128xi32, #tpu.memory_space<hbm>>) dst(%arg9 : memref<158x128xi32, #tpu.memory_space<vmem>>)
      tpu.yield
    }) : () -> ()
    %dma_start3A = arith.constant 0 : i32
    %dma_start3A_3 = arith.constant 0 : i32
    %dma_start3A_4 = arith.constant 0 : i32
    %dma_start3A_5 = arith.constant 0 : i32
    %dma_start3A_6 = tpu.memref_slice %arg11[%dma_start3A_3, %dma_start3A_4, %dma_start3A_5] : memref<2x128x64xf32, #tpu.memory_space<vmem>> -> memref<1x128x64xf32, #tpu.memory_space<vmem>>
    %dma_start3A_7 = tpu.memref_squeeze %dma_start3A_6 : memref<1x128x64xf32, #tpu.memory_space<vmem>> -> memref<128x64xf32, #tpu.memory_space<vmem>>
    %dma_start3A_8 = arith.constant 0 : i32
    %dma_start3A_9 = tpu.memref_slice %arg9[%dma_start3A, %dma_start3A_8] : memref<158x128xi32, #tpu.memory_space<vmem>> -> memref<1x128xi32, #tpu.memory_space<vmem>>
    %dma_start3A_10 = tpu.memref_squeeze %dma_start3A_9 : memref<1x128xi32, #tpu.memory_space<vmem>> -> memref<128xi32, #tpu.memory_space<vmem>>
    %dma_start3A_11 = arith.constant 0 : i32
    %dma_start3A_12 = arith.constant 0 : i32
    %dma_start3A_13 = tpu.memref_slice %arg2[%dma_start3A_11, %dma_start3A_12] : memref<20000x64xf32, #tpu.memory_space<hbm>> -> memref<20000x64xf32, #tpu.memory_space<hbm>>
    tpu.enqueue_indirect_dma source(%dma_start3A_13 : memref<20000x64xf32, #tpu.memory_space<hbm>>) target(%dma_start3A_7 : memref<128x64xf32, #tpu.memory_space<vmem>>) offsets(%dma_start3A_10 : memref<128xi32, #tpu.memory_space<vmem>>) semaphore(%arg13 : memref<!tpu.dma_semaphore, #tpu.memory_space<semaphore_mem>>)
    %dma_start3A_14 = arith.constant 1 : i32
    %dma_start3A_15 = arith.constant 1 : i32
    %dma_start3A_16 = arith.constant 0 : i32
    %dma_start3A_17 = arith.constant 0 : i32
    %dma_start3A_18 = tpu.memref_slice %arg11[%dma_start3A_15, %dma_start3A_16, %dma_start3A_17] : memref<2x128x64xf32, #tpu.memory_space<vmem>> -> memref<1x128x64xf32, #tpu.memory_space<vmem>>
    %dma_start3A_19 = tpu.memref_squeeze %dma_start3A_18 : memref<1x128x64xf32, #tpu.memory_space<vmem>> -> memref<128x64xf32, #tpu.memory_space<vmem>>
    %dma_start3A_20 = arith.constant 0 : i32
    %dma_start3A_21 = tpu.memref_slice %arg9[%dma_start3A_14, %dma_start3A_20] : memref<158x128xi32, #tpu.memory_space<vmem>> -> memref<1x128xi32, #tpu.memory_space<vmem>>
    %dma_start3A_22 = tpu.memref_squeeze %dma_start3A_21 : memref<1x128xi32, #tpu.memory_space<vmem>> -> memref<128xi32, #tpu.memory_space<vmem>>
    %dma_start3A_23 = arith.constant 0 : i32
    %dma_start3A_24 = arith.constant 0 : i32
    %dma_start3A_25 = tpu.memref_slice %arg2[%dma_start3A_23, %dma_start3A_24] : memref<20000x64xf32, #tpu.memory_space<hbm>> -> memref<20000x64xf32, #tpu.memory_space<hbm>>
    tpu.enqueue_indirect_dma source(%dma_start3A_25 : memref<20000x64xf32, #tpu.memory_space<hbm>>) target(%dma_start3A_19 : memref<128x64xf32, #tpu.memory_space<vmem>>) offsets(%dma_start3A_22 : memref<128xi32, #tpu.memory_space<vmem>>) semaphore(%arg14 : memref<!tpu.dma_semaphore, #tpu.memory_space<semaphore_mem>>)
    "tpu.region"() ({
      %run_scoped3A = tpu.sem_alloc : memref<!tpu.dma_semaphore, #tpu.memory_space<semaphore_mem>>
      %dma_start3A_35 = arith.constant 0 : i32
      %dma_start3A_36 = tpu.memref_slice %arg12[%mul3A_2, %dma_start3A_35] : memref<10112x64xf32, #tpu.memory_space<vmem_shared>> -> memref<632x64xf32, #tpu.memory_space<vmem_shared>>
      %dma_start3A_37 = arith.constant 0 : i32
      %dma_start3A_38 = tpu.memref_slice %arg5[%mul3A_2, %dma_start3A_37] : memref<10112x64xf32, #tpu.memory_space<hbm>> -> memref<632x64xf32, #tpu.memory_space<hbm>>
      tpu.enqueue_dma source(%dma_start3A_38 : memref<632x64xf32, #tpu.memory_space<hbm>>) target(%dma_start3A_36 : memref<632x64xf32, #tpu.memory_space<vmem_shared>>) target_semaphore(%run_scoped3A : memref<!tpu.dma_semaphore, #tpu.memory_space<semaphore_mem>>)
      %dma_wait3A = arith.constant 0 : i32
      %dma_wait3A_39 = tpu.memref_slice %arg12[%mul3A_2, %dma_wait3A] : memref<10112x64xf32, #tpu.memory_space<vmem_shared>> -> memref<632x64xf32, #tpu.memory_space<vmem_shared>>
      %dma_wait3A_40 = arith.constant 0 : i32
      %dma_wait3A_41 = tpu.memref_slice %arg5[%mul3A_2, %dma_wait3A_40] : memref<10112x64xf32, #tpu.memory_space<hbm>> -> memref<632x64xf32, #tpu.memory_space<hbm>>
      tpu.wait_dma2 semaphore(%run_scoped3A : memref<!tpu.dma_semaphore, #tpu.memory_space<semaphore_mem>>) src(%dma_wait3A_41 : memref<632x64xf32, #tpu.memory_space<hbm>>) dst(%dma_wait3A_39 : memref<632x64xf32, #tpu.memory_space<vmem_shared>>)
      tpu.yield
    }) : () -> ()
    "tpu.region"() ({
      %run_scoped3A = tpu.sem_alloc : memref<!tpu.dma_semaphore, #tpu.memory_space<semaphore_mem>>
      %dma_start3A_35 = arith.constant 0 : i32
      %dma_start3A_36 = arith.constant 0 : i32
      %dma_start3A_37 = tpu.memref_slice %arg4[%add3A, %dma_start3A_35, %dma_start3A_36] : memref<32x158x128xi32, #tpu.memory_space<hbm>> -> memref<1x158x128xi32, #tpu.memory_space<hbm>>
      %dma_start3A_38 = tpu.memref_squeeze %dma_start3A_37 : memref<1x158x128xi32, #tpu.memory_space<hbm>> -> memref<158x128xi32, #tpu.memory_space<hbm>>
      %dma_start3A_39 = arith.constant 0 : i32
      %dma_start3A_40 = arith.constant 0 : i32
      %dma_start3A_41 = tpu.memref_slice %arg4[%add3A, %dma_start3A_39, %dma_start3A_40] : memref<32x158x128xi32, #tpu.memory_space<hbm>> -> memref<1x158x128xi32, #tpu.memory_space<hbm>>
      %dma_start3A_42 = tpu.memref_squeeze %dma_start3A_41 : memref<1x158x128xi32, #tpu.memory_space<hbm>> -> memref<158x128xi32, #tpu.memory_space<hbm>>
      tpu.enqueue_dma source(%dma_start3A_42 : memref<158x128xi32, #tpu.memory_space<hbm>>) target(%arg10 : memref<158x128xi32, #tpu.memory_space<vmem>>) target_semaphore(%run_scoped3A : memref<!tpu.dma_semaphore, #tpu.memory_space<semaphore_mem>>)
      %dma_wait3A = arith.constant 0 : i32
      %dma_wait3A_43 = arith.constant 0 : i32
      %dma_wait3A_44 = tpu.memref_slice %arg4[%add3A, %dma_wait3A, %dma_wait3A_43] : memref<32x158x128xi32, #tpu.memory_space<hbm>> -> memref<1x158x128xi32, #tpu.memory_space<hbm>>
      %dma_wait3A_45 = tpu.memref_squeeze %dma_wait3A_44 : memref<1x158x128xi32, #tpu.memory_space<hbm>> -> memref<158x128xi32, #tpu.memory_space<hbm>>
      %dma_wait3A_46 = arith.constant 0 : i32
      %dma_wait3A_47 = arith.constant 0 : i32
      %dma_wait3A_48 = tpu.memref_slice %arg4[%add3A, %dma_wait3A_46, %dma_wait3A_47] : memref<32x158x128xi32, #tpu.memory_space<hbm>> -> memref<1x158x128xi32, #tpu.memory_space<hbm>>
      %dma_wait3A_49 = tpu.memref_squeeze %dma_wait3A_48 : memref<1x158x128xi32, #tpu.memory_space<hbm>> -> memref<158x128xi32, #tpu.memory_space<hbm>>
      tpu.wait_dma2 semaphore(%run_scoped3A : memref<!tpu.dma_semaphore, #tpu.memory_space<semaphore_mem>>) src(%dma_wait3A_49 : memref<158x128xi32, #tpu.memory_space<hbm>>) dst(%arg10 : memref<158x128xi32, #tpu.memory_space<vmem>>)
      tpu.yield
    }) : () -> ()
    %barrier3A = arith.constant 0 : index
    tpu.barrier barrier_id(%barrier3A)
    %scan3A = arith.constant 0 : i32
    %scan3A_26 = arith.constant 0 : i32
    %scan3A_27 = arith.constant 79 : i32
    %scan3A_28 = arith.addi %scan3A_26, %scan3A_27 : i32
    %scan3A_29 = arith.constant 1 : i32
    scf.for %scan3A_35 = %scan3A_26 to %scan3A_28 step %scan3A_29  : i32 {
      %mul3A_36 = arith.constant 2 : i32
      %mul3A_37 = arith.muli %scan3A_35, %mul3A_36 : i32
      %add3A_38 = arith.constant 0 : i32
      %add3A_39 = arith.addi %mul3A_37, %add3A_38 : i32
      %dma_wait3A = arith.constant 0 : i32
      %dma_wait3A_40 = arith.constant 0 : i32
      %dma_wait3A_41 = arith.constant 0 : i32
      %dma_wait3A_42 = tpu.memref_slice %arg11[%dma_wait3A, %dma_wait3A_40, %dma_wait3A_41] : memref<2x128x64xf32, #tpu.memory_space<vmem>> -> memref<1x128x64xf32, #tpu.memory_space<vmem>>
      %dma_wait3A_43 = tpu.memref_squeeze %dma_wait3A_42 : memref<1x128x64xf32, #tpu.memory_space<vmem>> -> memref<128x64xf32, #tpu.memory_space<vmem>>
      %dma_wait3A_44 = arith.constant 0 : i32
      %dma_wait3A_45 = tpu.memref_slice %arg9[%add3A_39, %dma_wait3A_44] : memref<158x128xi32, #tpu.memory_space<vmem>> -> memref<1x128xi32, #tpu.memory_space<vmem>>
      %dma_wait3A_46 = tpu.memref_squeeze %dma_wait3A_45 : memref<1x128xi32, #tpu.memory_space<vmem>> -> memref<128xi32, #tpu.memory_space<vmem>>
      %dma_wait3A_47 = arith.constant 0 : i32
      %dma_wait3A_48 = arith.constant 0 : i32
      %dma_wait3A_49 = tpu.memref_slice %arg2[%dma_wait3A_47, %dma_wait3A_48] : memref<20000x64xf32, #tpu.memory_space<hbm>> -> memref<20000x64xf32, #tpu.memory_space<hbm>>
      tpu.wait_indirect_dma semaphore(%arg13 : memref<!tpu.dma_semaphore, #tpu.memory_space<semaphore_mem>>) src(%dma_wait3A_49 : memref<20000x64xf32, #tpu.memory_space<hbm>>) dst(%dma_wait3A_43 : memref<128x64xf32, #tpu.memory_space<vmem>>)
      %run_scoped3A = arith.constant 0 : i32
      "tpu.region"() ({
        %run_scoped3A_77 = tpu.sem_alloc : memref<!tpu.dma_semaphore, #tpu.memory_space<semaphore_mem>>
        %dma_start3A_78 = arith.constant 0 : i32
        %dma_start3A_79 = arith.constant 0 : i32
        %dma_start3A_80 = tpu.memref_slice %arg11[%run_scoped3A, %dma_start3A_78, %dma_start3A_79] : memref<2x128x64xf32, #tpu.memory_space<vmem>> -> memref<1x128x64xf32, #tpu.memory_space<vmem>>
        %dma_start3A_81 = tpu.memref_squeeze %dma_start3A_80 : memref<1x128x64xf32, #tpu.memory_space<vmem>> -> memref<128x64xf32, #tpu.memory_space<vmem>>
        %dma_start3A_82 = arith.constant 0 : i32
        %dma_start3A_83 = tpu.memref_slice %arg10[%add3A_39, %dma_start3A_82] : memref<158x128xi32, #tpu.memory_space<vmem>> -> memref<1x128xi32, #tpu.memory_space<vmem>>
        %dma_start3A_84 = tpu.memref_squeeze %dma_start3A_83 : memref<1x128xi32, #tpu.memory_space<vmem>> -> memref<128xi32, #tpu.memory_space<vmem>>
        %dma_start3A_85 = arith.constant 0 : i32
        %dma_start3A_86 = arith.constant 0 : i32
        %dma_start3A_87 = tpu.memref_slice %arg12[%dma_start3A_85, %dma_start3A_86] : memref<10112x64xf32, #tpu.memory_space<vmem_shared>> -> memref<10112x64xf32, #tpu.memory_space<vmem_shared>>
        tpu.enqueue_indirect_dma source(%dma_start3A_81 : memref<128x64xf32, #tpu.memory_space<vmem>>) target(%dma_start3A_87 : memref<10112x64xf32, #tpu.memory_space<vmem_shared>>) offsets(%dma_start3A_84 : memref<128xi32, #tpu.memory_space<vmem>>) semaphore(%run_scoped3A_77 : memref<!tpu.dma_semaphore, #tpu.memory_space<semaphore_mem>>) {add = true}
        %dma_wait3A_88 = arith.constant 0 : i32
        %dma_wait3A_89 = arith.constant 0 : i32
        %dma_wait3A_90 = tpu.memref_slice %arg11[%run_scoped3A, %dma_wait3A_88, %dma_wait3A_89] : memref<2x128x64xf32, #tpu.memory_space<vmem>> -> memref<1x128x64xf32, #tpu.memory_space<vmem>>
        %dma_wait3A_91 = tpu.memref_squeeze %dma_wait3A_90 : memref<1x128x64xf32, #tpu.memory_space<vmem>> -> memref<128x64xf32, #tpu.memory_space<vmem>>
        %dma_wait3A_92 = arith.constant 0 : i32
        %dma_wait3A_93 = tpu.memref_slice %arg10[%add3A_39, %dma_wait3A_92] : memref<158x128xi32, #tpu.memory_space<vmem>> -> memref<1x128xi32, #tpu.memory_space<vmem>>
        %dma_wait3A_94 = tpu.memref_squeeze %dma_wait3A_93 : memref<1x128xi32, #tpu.memory_space<vmem>> -> memref<128xi32, #tpu.memory_space<vmem>>
        %dma_wait3A_95 = arith.constant 0 : i32
        %dma_wait3A_96 = arith.constant 0 : i32
        %dma_wait3A_97 = tpu.memref_slice %arg12[%dma_wait3A_95, %dma_wait3A_96] : memref<10112x64xf32, #tpu.memory_space<vmem_shared>> -> memref<10112x64xf32, #tpu.memory_space<vmem_shared>>
        tpu.wait_indirect_dma semaphore(%run_scoped3A_77 : memref<!tpu.dma_semaphore, #tpu.memory_space<semaphore_mem>>) src(%dma_wait3A_91 : memref<128x64xf32, #tpu.memory_space<vmem>>) dst(%dma_wait3A_97 : memref<10112x64xf32, #tpu.memory_space<vmem_shared>>)
        tpu.yield
      }) : () -> ()
      %add3A_50 = arith.constant 2 : i32
      %add3A_51 = arith.addi %add3A_39, %add3A_50 : i32
      %lt3A = arith.constant 158 : i32
      %lt3A_52 = arith.cmpi slt, %add3A_51, %lt3A : i32
      %convert_element_type3A = arith.extui %lt3A_52 : i1 to i32
      %cond3A = arith.constant 0 : i32
      %cond3A_53 = arith.cmpi ne, %convert_element_type3A, %cond3A : i32
      scf.if %cond3A_53 {
        %add3A_77 = arith.constant 2 : i32
        %add3A_78 = arith.addi %add3A_39, %add3A_77 : i32
        %dma_start3A_79 = arith.constant 0 : i32
        %dma_start3A_80 = arith.constant 0 : i32
        %dma_start3A_81 = arith.constant 0 : i32
        %dma_start3A_82 = tpu.memref_slice %arg11[%dma_start3A_79, %dma_start3A_80, %dma_start3A_81] : memref<2x128x64xf32, #tpu.memory_space<vmem>> -> memref<1x128x64xf32, #tpu.memory_space<vmem>>
        %dma_start3A_83 = tpu.memref_squeeze %dma_start3A_82 : memref<1x128x64xf32, #tpu.memory_space<vmem>> -> memref<128x64xf32, #tpu.memory_space<vmem>>
        %dma_start3A_84 = arith.constant 0 : i32
        %dma_start3A_85 = tpu.memref_slice %arg9[%add3A_78, %dma_start3A_84] : memref<158x128xi32, #tpu.memory_space<vmem>> -> memref<1x128xi32, #tpu.memory_space<vmem>>
        %dma_start3A_86 = tpu.memref_squeeze %dma_start3A_85 : memref<1x128xi32, #tpu.memory_space<vmem>> -> memref<128xi32, #tpu.memory_space<vmem>>
        %dma_start3A_87 = arith.constant 0 : i32
        %dma_start3A_88 = arith.constant 0 : i32
        %dma_start3A_89 = tpu.memref_slice %arg2[%dma_start3A_87, %dma_start3A_88] : memref<20000x64xf32, #tpu.memory_space<hbm>> -> memref<20000x64xf32, #tpu.memory_space<hbm>>
        tpu.enqueue_indirect_dma source(%dma_start3A_89 : memref<20000x64xf32, #tpu.memory_space<hbm>>) target(%dma_start3A_83 : memref<128x64xf32, #tpu.memory_space<vmem>>) offsets(%dma_start3A_86 : memref<128xi32, #tpu.memory_space<vmem>>) semaphore(%arg13 : memref<!tpu.dma_semaphore, #tpu.memory_space<semaphore_mem>>)
      } else {
      }
      %mul3A_54 = arith.constant 2 : i32
      %mul3A_55 = arith.muli %scan3A_35, %mul3A_54 : i32
      %add3A_56 = arith.constant 1 : i32
      %add3A_57 = arith.addi %mul3A_55, %add3A_56 : i32
      %dma_wait3A_58 = arith.constant 1 : i32
      %dma_wait3A_59 = arith.constant 0 : i32
      %dma_wait3A_60 = arith.constant 0 : i32
      %dma_wait3A_61 = tpu.memref_slice %arg11[%dma_wait3A_58, %dma_wait3A_59, %dma_wait3A_60] : memref<2x128x64xf32, #tpu.memory_space<vmem>> -> memref<1x128x64xf32, #tpu.memory_space<vmem>>
      %dma_wait3A_62 = tpu.memref_squeeze %dma_wait3A_61 : memref<1x128x64xf32, #tpu.memory_space<vmem>> -> memref<128x64xf32, #tpu.memory_space<vmem>>
      %dma_wait3A_63 = arith.constant 0 : i32
      %dma_wait3A_64 = tpu.memref_slice %arg9[%add3A_57, %dma_wait3A_63] : memref<158x128xi32, #tpu.memory_space<vmem>> -> memref<1x128xi32, #tpu.memory_space<vmem>>
      %dma_wait3A_65 = tpu.memref_squeeze %dma_wait3A_64 : memref<1x128xi32, #tpu.memory_space<vmem>> -> memref<128xi32, #tpu.memory_space<vmem>>
      %dma_wait3A_66 = arith.constant 0 : i32
      %dma_wait3A_67 = arith.constant 0 : i32
      %dma_wait3A_68 = tpu.memref_slice %arg2[%dma_wait3A_66, %dma_wait3A_67] : memref<20000x64xf32, #tpu.memory_space<hbm>> -> memref<20000x64xf32, #tpu.memory_space<hbm>>
      tpu.wait_indirect_dma semaphore(%arg14 : memref<!tpu.dma_semaphore, #tpu.memory_space<semaphore_mem>>) src(%dma_wait3A_68 : memref<20000x64xf32, #tpu.memory_space<hbm>>) dst(%dma_wait3A_62 : memref<128x64xf32, #tpu.memory_space<vmem>>)
      %run_scoped3A_69 = arith.constant 1 : i32
      "tpu.region"() ({
        %run_scoped3A_77 = tpu.sem_alloc : memref<!tpu.dma_semaphore, #tpu.memory_space<semaphore_mem>>
        %dma_start3A_78 = arith.constant 0 : i32
        %dma_start3A_79 = arith.constant 0 : i32
        %dma_start3A_80 = tpu.memref_slice %arg11[%run_scoped3A_69, %dma_start3A_78, %dma_start3A_79] : memref<2x128x64xf32, #tpu.memory_space<vmem>> -> memref<1x128x64xf32, #tpu.memory_space<vmem>>
        %dma_start3A_81 = tpu.memref_squeeze %dma_start3A_80 : memref<1x128x64xf32, #tpu.memory_space<vmem>> -> memref<128x64xf32, #tpu.memory_space<vmem>>
        %dma_start3A_82 = arith.constant 0 : i32
        %dma_start3A_83 = tpu.memref_slice %arg10[%add3A_57, %dma_start3A_82] : memref<158x128xi32, #tpu.memory_space<vmem>> -> memref<1x128xi32, #tpu.memory_space<vmem>>
        %dma_start3A_84 = tpu.memref_squeeze %dma_start3A_83 : memref<1x128xi32, #tpu.memory_space<vmem>> -> memref<128xi32, #tpu.memory_space<vmem>>
        %dma_start3A_85 = arith.constant 0 : i32
        %dma_start3A_86 = arith.constant 0 : i32
        %dma_start3A_87 = tpu.memref_slice %arg12[%dma_start3A_85, %dma_start3A_86] : memref<10112x64xf32, #tpu.memory_space<vmem_shared>> -> memref<10112x64xf32, #tpu.memory_space<vmem_shared>>
        tpu.enqueue_indirect_dma source(%dma_start3A_81 : memref<128x64xf32, #tpu.memory_space<vmem>>) target(%dma_start3A_87 : memref<10112x64xf32, #tpu.memory_space<vmem_shared>>) offsets(%dma_start3A_84 : memref<128xi32, #tpu.memory_space<vmem>>) semaphore(%run_scoped3A_77 : memref<!tpu.dma_semaphore, #tpu.memory_space<semaphore_mem>>) {add = true}
        %dma_wait3A_88 = arith.constant 0 : i32
        %dma_wait3A_89 = arith.constant 0 : i32
        %dma_wait3A_90 = tpu.memref_slice %arg11[%run_scoped3A_69, %dma_wait3A_88, %dma_wait3A_89] : memref<2x128x64xf32, #tpu.memory_space<vmem>> -> memref<1x128x64xf32, #tpu.memory_space<vmem>>
        %dma_wait3A_91 = tpu.memref_squeeze %dma_wait3A_90 : memref<1x128x64xf32, #tpu.memory_space<vmem>> -> memref<128x64xf32, #tpu.memory_space<vmem>>
        %dma_wait3A_92 = arith.constant 0 : i32
        %dma_wait3A_93 = tpu.memref_slice %arg10[%add3A_57, %dma_wait3A_92] : memref<158x128xi32, #tpu.memory_space<vmem>> -> memref<1x128xi32, #tpu.memory_space<vmem>>
        %dma_wait3A_94 = tpu.memref_squeeze %dma_wait3A_93 : memref<1x128xi32, #tpu.memory_space<vmem>> -> memref<128xi32, #tpu.memory_space<vmem>>
        %dma_wait3A_95 = arith.constant 0 : i32
        %dma_wait3A_96 = arith.constant 0 : i32
        %dma_wait3A_97 = tpu.memref_slice %arg12[%dma_wait3A_95, %dma_wait3A_96] : memref<10112x64xf32, #tpu.memory_space<vmem_shared>> -> memref<10112x64xf32, #tpu.memory_space<vmem_shared>>
        tpu.wait_indirect_dma semaphore(%run_scoped3A_77 : memref<!tpu.dma_semaphore, #tpu.memory_space<semaphore_mem>>) src(%dma_wait3A_91 : memref<128x64xf32, #tpu.memory_space<vmem>>) dst(%dma_wait3A_97 : memref<10112x64xf32, #tpu.memory_space<vmem_shared>>)
        tpu.yield
      }) : () -> ()
      %add3A_70 = arith.constant 2 : i32
      %add3A_71 = arith.addi %add3A_57, %add3A_70 : i32
      %lt3A_72 = arith.constant 158 : i32
      %lt3A_73 = arith.cmpi slt, %add3A_71, %lt3A_72 : i32
      %convert_element_type3A_74 = arith.extui %lt3A_73 : i1 to i32
      %cond3A_75 = arith.constant 0 : i32
      %cond3A_76 = arith.cmpi ne, %convert_element_type3A_74, %cond3A_75 : i32
      scf.if %cond3A_76 {
        %add3A_77 = arith.constant 2 : i32
        %add3A_78 = arith.addi %add3A_57, %add3A_77 : i32
        %dma_start3A_79 = arith.constant 1 : i32
        %dma_start3A_80 = arith.constant 0 : i32
        %dma_start3A_81 = arith.constant 0 : i32
        %dma_start3A_82 = tpu.memref_slice %arg11[%dma_start3A_79, %dma_start3A_80, %dma_start3A_81] : memref<2x128x64xf32, #tpu.memory_space<vmem>> -> memref<1x128x64xf32, #tpu.memory_space<vmem>>
        %dma_start3A_83 = tpu.memref_squeeze %dma_start3A_82 : memref<1x128x64xf32, #tpu.memory_space<vmem>> -> memref<128x64xf32, #tpu.memory_space<vmem>>
        %dma_start3A_84 = arith.constant 0 : i32
        %dma_start3A_85 = tpu.memref_slice %arg9[%add3A_78, %dma_start3A_84] : memref<158x128xi32, #tpu.memory_space<vmem>> -> memref<1x128xi32, #tpu.memory_space<vmem>>
        %dma_start3A_86 = tpu.memref_squeeze %dma_start3A_85 : memref<1x128xi32, #tpu.memory_space<vmem>> -> memref<128xi32, #tpu.memory_space<vmem>>
        %dma_start3A_87 = arith.constant 0 : i32
        %dma_start3A_88 = arith.constant 0 : i32
        %dma_start3A_89 = tpu.memref_slice %arg2[%dma_start3A_87, %dma_start3A_88] : memref<20000x64xf32, #tpu.memory_space<hbm>> -> memref<20000x64xf32, #tpu.memory_space<hbm>>
        tpu.enqueue_indirect_dma source(%dma_start3A_89 : memref<20000x64xf32, #tpu.memory_space<hbm>>) target(%dma_start3A_83 : memref<128x64xf32, #tpu.memory_space<vmem>>) offsets(%dma_start3A_86 : memref<128xi32, #tpu.memory_space<vmem>>) semaphore(%arg14 : memref<!tpu.dma_semaphore, #tpu.memory_space<semaphore_mem>>)
      } else {
      }
    }
    %scan3A_30 = arith.constant 79 : i32
    %barrier3A_31 = arith.constant 0 : index
    tpu.barrier barrier_id(%barrier3A_31)
    %mul3A_32 = arith.constant 10112 : i32
    %mul3A_33 = arith.muli %arg0, %mul3A_32 : i32
    %add3A_34 = arith.addi %mul3A_33, %mul3A_2 : i32
    "tpu.region"() ({
      %run_scoped3A = tpu.sem_alloc : memref<!tpu.dma_semaphore, #tpu.memory_space<semaphore_mem>>
      %dma_start3A_35 = arith.constant 0 : i32
      %dma_start3A_36 = tpu.memref_slice %arg8[%add3A_34, %dma_start3A_35] : memref<20224x64xf32, #tpu.memory_space<hbm>> -> memref<632x64xf32, #tpu.memory_space<hbm>>
      %dma_start3A_37 = arith.constant 0 : i32
      %dma_start3A_38 = tpu.memref_slice %arg12[%mul3A_2, %dma_start3A_37] : memref<10112x64xf32, #tpu.memory_space<vmem_shared>> -> memref<632x64xf32, #tpu.memory_space<vmem_shared>>
      tpu.enqueue_dma source(%dma_start3A_38 : memref<632x64xf32, #tpu.memory_space<vmem_shared>>) target(%dma_start3A_36 : memref<632x64xf32, #tpu.memory_space<hbm>>) target_semaphore(%run_scoped3A : memref<!tpu.dma_semaphore, #tpu.memory_space<semaphore_mem>>)
      %dma_wait3A = arith.constant 0 : i32
      %dma_wait3A_39 = tpu.memref_slice %arg8[%add3A_34, %dma_wait3A] : memref<20224x64xf32, #tpu.memory_space<hbm>> -> memref<632x64xf32, #tpu.memory_space<hbm>>
      %dma_wait3A_40 = arith.constant 0 : i32
      %dma_wait3A_41 = tpu.memref_slice %arg12[%mul3A_2, %dma_wait3A_40] : memref<10112x64xf32, #tpu.memory_space<vmem_shared>> -> memref<632x64xf32, #tpu.memory_space<vmem_shared>>
      tpu.wait_dma2 semaphore(%run_scoped3A : memref<!tpu.dma_semaphore, #tpu.memory_space<semaphore_mem>>) src(%dma_wait3A_41 : memref<632x64xf32, #tpu.memory_space<vmem_shared>>) dst(%dma_wait3A_39 : memref<632x64xf32, #tpu.memory_space<hbm>>)
      tpu.yield
    }) : () -> ()
    return
  }
}

#map = affine_map<(d0, d1) -> (0, 0)>
#map1 = affine_map<(d0, d1) -> (0, 0, 0)>
module attributes {stable_mosaic.version = 14 : i64} {
  func.func @body(%arg0: i32, %arg1: i32, %arg2: memref<20000x64xf32, #tpu.memory_space<hbm>>, %arg3: memref<32x158x128xi32, #tpu.memory_space<hbm>>, %arg4: memref<32x158x128xi32, #tpu.memory_space<hbm>>, %arg5: memref<10112x64xf32, #tpu.memory_space<hbm>>, %arg6: memref<10112x16xf32, #tpu.memory_space<hbm>>, %arg7: memref<128x16xf32, #tpu.memory_space<hbm>>, %arg8: memref<20224x64xf32, #tpu.memory_space<hbm>>, %arg9: memref<158x128xi32, #tpu.memory_space<vmem>>, %arg10: memref<158x128xi32, #tpu.memory_space<vmem>>, %arg11: memref<2x128x64xf32, #tpu.memory_space<vmem>>, %arg12: memref<10112x64xf32, #tpu.memory_space<vmem_shared>>, %arg13: memref<!tpu.dma_semaphore, #tpu.memory_space<semaphore_mem>>, %arg14: memref<!tpu.dma_semaphore, #tpu.memory_space<semaphore_mem>>) attributes {dimension_semantics = [#tpu.dimension_semantics<core_parallel>, #tpu.dimension_semantics<subcore_parallel>], iteration_bounds = array<i64: 2, 16>, scalar_prefetch = 0 : i64, scratch_operands = 6 : i64, tpu.core_type = #tpu.core_type<sc_vector_subcore>, window_params = [{transform_indices = #map}, {transform_indices = #map1}, {transform_indices = #map1}, {transform_indices = #map}, {transform_indices = #map}, {transform_indices = #map}, {transform_indices = #map}]} {
    %mul3A = arith.constant 16 : i32
    %mul3A_0 = arith.muli %arg0, %mul3A : i32
    %add3A = arith.addi %mul3A_0, %arg1 : i32
    %mul3A_1 = arith.constant 632 : i32
    %mul3A_2 = arith.muli %arg1, %mul3A_1 : i32
    "tpu.region"() ({
      %run_scoped3A = tpu.sem_alloc : memref<!tpu.dma_semaphore, #tpu.memory_space<semaphore_mem>>
      %dma_start3A_35 = arith.constant 0 : i32
      %dma_start3A_36 = arith.constant 0 : i32
      %dma_start3A_37 = tpu.memref_slice %arg3[%add3A, %dma_start3A_35, %dma_start3A_36] : memref<32x158x128xi32, #tpu.memory_space<hbm>> -> memref<1x158x128xi32, #tpu.memory_space<hbm>>
      %dma_start3A_38 = tpu.memref_squeeze %dma_start3A_37 : memref<1x158x128xi32, #tpu.memory_space<hbm>> -> memref<158x128xi32, #tpu.memory_space<hbm>>
      %dma_start3A_39 = arith.constant 0 : i32
      %dma_start3A_40 = arith.constant 0 : i32
      %dma_start3A_41 = tpu.memref_slice %arg3[%add3A, %dma_start3A_39, %dma_start3A_40] : memref<32x158x128xi32, #tpu.memory_space<hbm>> -> memref<1x158x128xi32, #tpu.memory_space<hbm>>
      %dma_start3A_42 = tpu.memref_squeeze %dma_start3A_41 : memref<1x158x128xi32, #tpu.memory_space<hbm>> -> memref<158x128xi32, #tpu.memory_space<hbm>>
      tpu.enqueue_dma source(%dma_start3A_42 : memref<158x128xi32, #tpu.memory_space<hbm>>) target(%arg9 : memref<158x128xi32, #tpu.memory_space<vmem>>) target_semaphore(%run_scoped3A : memref<!tpu.dma_semaphore, #tpu.memory_space<semaphore_mem>>)
      %dma_wait3A = arith.constant 0 : i32
      %dma_wait3A_43 = arith.constant 0 : i32
      %dma_wait3A_44 = tpu.memref_slice %arg3[%add3A, %dma_wait3A, %dma_wait3A_43] : memref<32x158x128xi32, #tpu.memory_space<hbm>> -> memref<1x158x128xi32, #tpu.memory_space<hbm>>
      %dma_wait3A_45 = tpu.memref_squeeze %dma_wait3A_44 : memref<1x158x128xi32, #tpu.memory_space<hbm>> -> memref<158x128xi32, #tpu.memory_space<hbm>>
      %dma_wait3A_46 = arith.constant 0 : i32
      %dma_wait3A_47 = arith.constant 0 : i32
      %dma_wait3A_48 = tpu.memref_slice %arg3[%add3A, %dma_wait3A_46, %dma_wait3A_47] : memref<32x158x128xi32, #tpu.memory_space<hbm>> -> memref<1x158x128xi32, #tpu.memory_space<hbm>>
      %dma_wait3A_49 = tpu.memref_squeeze %dma_wait3A_48 : memref<1x158x128xi32, #tpu.memory_space<hbm>> -> memref<158x128xi32, #tpu.memory_space<hbm>>
      tpu.wait_dma2 semaphore(%run_scoped3A : memref<!tpu.dma_semaphore, #tpu.memory_space<semaphore_mem>>) src(%dma_wait3A_49 : memref<158x128xi32, #tpu.memory_space<hbm>>) dst(%arg9 : memref<158x128xi32, #tpu.memory_space<vmem>>)
      tpu.yield
    }) : () -> ()
    %dma_start3A = arith.constant 0 : i32
    %dma_start3A_3 = arith.constant 0 : i32
    %dma_start3A_4 = arith.constant 0 : i32
    %dma_start3A_5 = arith.constant 0 : i32
    %dma_start3A_6 = tpu.memref_slice %arg11[%dma_start3A_3, %dma_start3A_4, %dma_start3A_5] : memref<2x128x64xf32, #tpu.memory_space<vmem>> -> memref<1x128x64xf32, #tpu.memory_space<vmem>>
    %dma_start3A_7 = tpu.memref_squeeze %dma_start3A_6 : memref<1x128x64xf32, #tpu.memory_space<vmem>> -> memref<128x64xf32, #tpu.memory_space<vmem>>
    %dma_start3A_8 = arith.constant 0 : i32
    %dma_start3A_9 = tpu.memref_slice %arg9[%dma_start3A, %dma_start3A_8] : memref<158x128xi32, #tpu.memory_space<vmem>> -> memref<1x128xi32, #tpu.memory_space<vmem>>
    %dma_start3A_10 = tpu.memref_squeeze %dma_start3A_9 : memref<1x128xi32, #tpu.memory_space<vmem>> -> memref<128xi32, #tpu.memory_space<vmem>>
    %dma_start3A_11 = arith.constant 0 : i32
    %dma_start3A_12 = arith.constant 0 : i32
    %dma_start3A_13 = tpu.memref_slice %arg2[%dma_start3A_11, %dma_start3A_12] : memref<20000x64xf32, #tpu.memory_space<hbm>> -> memref<20000x64xf32, #tpu.memory_space<hbm>>
    tpu.enqueue_indirect_dma source(%dma_start3A_13 : memref<20000x64xf32, #tpu.memory_space<hbm>>) target(%dma_start3A_7 : memref<128x64xf32, #tpu.memory_space<vmem>>) offsets(%dma_start3A_10 : memref<128xi32, #tpu.memory_space<vmem>>) semaphore(%arg13 : memref<!tpu.dma_semaphore, #tpu.memory_space<semaphore_mem>>)
    %dma_start3A_14 = arith.constant 1 : i32
    %dma_start3A_15 = arith.constant 1 : i32
    %dma_start3A_16 = arith.constant 0 : i32
    %dma_start3A_17 = arith.constant 0 : i32
    %dma_start3A_18 = tpu.memref_slice %arg11[%dma_start3A_15, %dma_start3A_16, %dma_start3A_17] : memref<2x128x64xf32, #tpu.memory_space<vmem>> -> memref<1x128x64xf32, #tpu.memory_space<vmem>>
    %dma_start3A_19 = tpu.memref_squeeze %dma_start3A_18 : memref<1x128x64xf32, #tpu.memory_space<vmem>> -> memref<128x64xf32, #tpu.memory_space<vmem>>
    %dma_start3A_20 = arith.constant 0 : i32
    %dma_start3A_21 = tpu.memref_slice %arg9[%dma_start3A_14, %dma_start3A_20] : memref<158x128xi32, #tpu.memory_space<vmem>> -> memref<1x128xi32, #tpu.memory_space<vmem>>
    %dma_start3A_22 = tpu.memref_squeeze %dma_start3A_21 : memref<1x128xi32, #tpu.memory_space<vmem>> -> memref<128xi32, #tpu.memory_space<vmem>>
    %dma_start3A_23 = arith.constant 0 : i32
    %dma_start3A_24 = arith.constant 0 : i32
    %dma_start3A_25 = tpu.memref_slice %arg2[%dma_start3A_23, %dma_start3A_24] : memref<20000x64xf32, #tpu.memory_space<hbm>> -> memref<20000x64xf32, #tpu.memory_space<hbm>>
    tpu.enqueue_indirect_dma source(%dma_start3A_25 : memref<20000x64xf32, #tpu.memory_space<hbm>>) target(%dma_start3A_19 : memref<128x64xf32, #tpu.memory_space<vmem>>) offsets(%dma_start3A_22 : memref<128xi32, #tpu.memory_space<vmem>>) semaphore(%arg14 : memref<!tpu.dma_semaphore, #tpu.memory_space<semaphore_mem>>)
    "tpu.region"() ({
      %run_scoped3A = tpu.sem_alloc : memref<!tpu.dma_semaphore, #tpu.memory_space<semaphore_mem>>
      %dma_start3A_35 = arith.constant 0 : i32
      %dma_start3A_36 = tpu.memref_slice %arg12[%mul3A_2, %dma_start3A_35] : memref<10112x64xf32, #tpu.memory_space<vmem_shared>> -> memref<632x64xf32, #tpu.memory_space<vmem_shared>>
      %dma_start3A_37 = arith.constant 0 : i32
      %dma_start3A_38 = tpu.memref_slice %arg5[%mul3A_2, %dma_start3A_37] : memref<10112x64xf32, #tpu.memory_space<hbm>> -> memref<632x64xf32, #tpu.memory_space<hbm>>
      tpu.enqueue_dma source(%dma_start3A_38 : memref<632x64xf32, #tpu.memory_space<hbm>>) target(%dma_start3A_36 : memref<632x64xf32, #tpu.memory_space<vmem_shared>>) target_semaphore(%run_scoped3A : memref<!tpu.dma_semaphore, #tpu.memory_space<semaphore_mem>>)
      %dma_wait3A = arith.constant 0 : i32
      %dma_wait3A_39 = tpu.memref_slice %arg12[%mul3A_2, %dma_wait3A] : memref<10112x64xf32, #tpu.memory_space<vmem_shared>> -> memref<632x64xf32, #tpu.memory_space<vmem_shared>>
      %dma_wait3A_40 = arith.constant 0 : i32
      %dma_wait3A_41 = tpu.memref_slice %arg5[%mul3A_2, %dma_wait3A_40] : memref<10112x64xf32, #tpu.memory_space<hbm>> -> memref<632x64xf32, #tpu.memory_space<hbm>>
      tpu.wait_dma2 semaphore(%run_scoped3A : memref<!tpu.dma_semaphore, #tpu.memory_space<semaphore_mem>>) src(%dma_wait3A_41 : memref<632x64xf32, #tpu.memory_space<hbm>>) dst(%dma_wait3A_39 : memref<632x64xf32, #tpu.memory_space<vmem_shared>>)
      tpu.yield
    }) : () -> ()
    "tpu.region"() ({
      %run_scoped3A = tpu.sem_alloc : memref<!tpu.dma_semaphore, #tpu.memory_space<semaphore_mem>>
      %dma_start3A_35 = arith.constant 0 : i32
      %dma_start3A_36 = arith.constant 0 : i32
      %dma_start3A_37 = tpu.memref_slice %arg4[%add3A, %dma_start3A_35, %dma_start3A_36] : memref<32x158x128xi32, #tpu.memory_space<hbm>> -> memref<1x158x128xi32, #tpu.memory_space<hbm>>
      %dma_start3A_38 = tpu.memref_squeeze %dma_start3A_37 : memref<1x158x128xi32, #tpu.memory_space<hbm>> -> memref<158x128xi32, #tpu.memory_space<hbm>>
      %dma_start3A_39 = arith.constant 0 : i32
      %dma_start3A_40 = arith.constant 0 : i32
      %dma_start3A_41 = tpu.memref_slice %arg4[%add3A, %dma_start3A_39, %dma_start3A_40] : memref<32x158x128xi32, #tpu.memory_space<hbm>> -> memref<1x158x128xi32, #tpu.memory_space<hbm>>
      %dma_start3A_42 = tpu.memref_squeeze %dma_start3A_41 : memref<1x158x128xi32, #tpu.memory_space<hbm>> -> memref<158x128xi32, #tpu.memory_space<hbm>>
      tpu.enqueue_dma source(%dma_start3A_42 : memref<158x128xi32, #tpu.memory_space<hbm>>) target(%arg10 : memref<158x128xi32, #tpu.memory_space<vmem>>) target_semaphore(%run_scoped3A : memref<!tpu.dma_semaphore, #tpu.memory_space<semaphore_mem>>)
      %dma_wait3A = arith.constant 0 : i32
      %dma_wait3A_43 = arith.constant 0 : i32
      %dma_wait3A_44 = tpu.memref_slice %arg4[%add3A, %dma_wait3A, %dma_wait3A_43] : memref<32x158x128xi32, #tpu.memory_space<hbm>> -> memref<1x158x128xi32, #tpu.memory_space<hbm>>
      %dma_wait3A_45 = tpu.memref_squeeze %dma_wait3A_44 : memref<1x158x128xi32, #tpu.memory_space<hbm>> -> memref<158x128xi32, #tpu.memory_space<hbm>>
      %dma_wait3A_46 = arith.constant 0 : i32
      %dma_wait3A_47 = arith.constant 0 : i32
      %dma_wait3A_48 = tpu.memref_slice %arg4[%add3A, %dma_wait3A_46, %dma_wait3A_47] : memref<32x158x128xi32, #tpu.memory_space<hbm>> -> memref<1x158x128xi32, #tpu.memory_space<hbm>>
      %dma_wait3A_49 = tpu.memref_squeeze %dma_wait3A_48 : memref<1x158x128xi32, #tpu.memory_space<hbm>> -> memref<158x128xi32, #tpu.memory_space<hbm>>
      tpu.wait_dma2 semaphore(%run_scoped3A : memref<!tpu.dma_semaphore, #tpu.memory_space<semaphore_mem>>) src(%dma_wait3A_49 : memref<158x128xi32, #tpu.memory_space<hbm>>) dst(%arg10 : memref<158x128xi32, #tpu.memory_space<vmem>>)
      tpu.yield
    }) : () -> ()
    %barrier3A = arith.constant 0 : index
    tpu.barrier barrier_id(%barrier3A)
    %scan3A = arith.constant 0 : i32
    %scan3A_26 = arith.constant 0 : i32
    %scan3A_27 = arith.constant 79 : i32
    %scan3A_28 = arith.addi %scan3A_26, %scan3A_27 : i32
    %scan3A_29 = arith.constant 1 : i32
    scf.for %scan3A_35 = %scan3A_26 to %scan3A_28 step %scan3A_29  : i32 {
      %mul3A_36 = arith.constant 2 : i32
      %mul3A_37 = arith.muli %scan3A_35, %mul3A_36 : i32
      %add3A_38 = arith.constant 0 : i32
      %add3A_39 = arith.addi %mul3A_37, %add3A_38 : i32
      %dma_wait3A = arith.constant 0 : i32
      %dma_wait3A_40 = arith.constant 0 : i32
      %dma_wait3A_41 = arith.constant 0 : i32
      %dma_wait3A_42 = tpu.memref_slice %arg11[%dma_wait3A, %dma_wait3A_40, %dma_wait3A_41] : memref<2x128x64xf32, #tpu.memory_space<vmem>> -> memref<1x128x64xf32, #tpu.memory_space<vmem>>
      %dma_wait3A_43 = tpu.memref_squeeze %dma_wait3A_42 : memref<1x128x64xf32, #tpu.memory_space<vmem>> -> memref<128x64xf32, #tpu.memory_space<vmem>>
      %dma_wait3A_44 = arith.constant 0 : i32
      %dma_wait3A_45 = tpu.memref_slice %arg9[%add3A_39, %dma_wait3A_44] : memref<158x128xi32, #tpu.memory_space<vmem>> -> memref<1x128xi32, #tpu.memory_space<vmem>>
      %dma_wait3A_46 = tpu.memref_squeeze %dma_wait3A_45 : memref<1x128xi32, #tpu.memory_space<vmem>> -> memref<128xi32, #tpu.memory_space<vmem>>
      %dma_wait3A_47 = arith.constant 0 : i32
      %dma_wait3A_48 = arith.constant 0 : i32
      %dma_wait3A_49 = tpu.memref_slice %arg2[%dma_wait3A_47, %dma_wait3A_48] : memref<20000x64xf32, #tpu.memory_space<hbm>> -> memref<20000x64xf32, #tpu.memory_space<hbm>>
      tpu.wait_indirect_dma semaphore(%arg13 : memref<!tpu.dma_semaphore, #tpu.memory_space<semaphore_mem>>) src(%dma_wait3A_49 : memref<20000x64xf32, #tpu.memory_space<hbm>>) dst(%dma_wait3A_43 : memref<128x64xf32, #tpu.memory_space<vmem>>)
      %run_scoped3A = arith.constant 0 : i32
      "tpu.region"() ({
        %run_scoped3A_77 = tpu.sem_alloc : memref<!tpu.dma_semaphore, #tpu.memory_space<semaphore_mem>>
        %dma_start3A_78 = arith.constant 0 : i32
        %dma_start3A_79 = arith.constant 0 : i32
        %dma_start3A_80 = tpu.memref_slice %arg11[%run_scoped3A, %dma_start3A_78, %dma_start3A_79] : memref<2x128x64xf32, #tpu.memory_space<vmem>> -> memref<1x128x64xf32, #tpu.memory_space<vmem>>
        %dma_start3A_81 = tpu.memref_squeeze %dma_start3A_80 : memref<1x128x64xf32, #tpu.memory_space<vmem>> -> memref<128x64xf32, #tpu.memory_space<vmem>>
        %dma_start3A_82 = arith.constant 0 : i32
        %dma_start3A_83 = tpu.memref_slice %arg10[%add3A_39, %dma_start3A_82] : memref<158x128xi32, #tpu.memory_space<vmem>> -> memref<1x128xi32, #tpu.memory_space<vmem>>
        %dma_start3A_84 = tpu.memref_squeeze %dma_start3A_83 : memref<1x128xi32, #tpu.memory_space<vmem>> -> memref<128xi32, #tpu.memory_space<vmem>>
        %dma_start3A_85 = arith.constant 0 : i32
        %dma_start3A_86 = arith.constant 0 : i32
        %dma_start3A_87 = tpu.memref_slice %arg12[%dma_start3A_85, %dma_start3A_86] : memref<10112x64xf32, #tpu.memory_space<vmem_shared>> -> memref<10112x64xf32, #tpu.memory_space<vmem_shared>>
        tpu.enqueue_indirect_dma source(%dma_start3A_81 : memref<128x64xf32, #tpu.memory_space<vmem>>) target(%dma_start3A_87 : memref<10112x64xf32, #tpu.memory_space<vmem_shared>>) offsets(%dma_start3A_84 : memref<128xi32, #tpu.memory_space<vmem>>) semaphore(%run_scoped3A_77 : memref<!tpu.dma_semaphore, #tpu.memory_space<semaphore_mem>>) {add = true}
        %dma_wait3A_88 = arith.constant 0 : i32
        %dma_wait3A_89 = arith.constant 0 : i32
        %dma_wait3A_90 = tpu.memref_slice %arg11[%run_scoped3A, %dma_wait3A_88, %dma_wait3A_89] : memref<2x128x64xf32, #tpu.memory_space<vmem>> -> memref<1x128x64xf32, #tpu.memory_space<vmem>>
        %dma_wait3A_91 = tpu.memref_squeeze %dma_wait3A_90 : memref<1x128x64xf32, #tpu.memory_space<vmem>> -> memref<128x64xf32, #tpu.memory_space<vmem>>
        %dma_wait3A_92 = arith.constant 0 : i32
        %dma_wait3A_93 = tpu.memref_slice %arg10[%add3A_39, %dma_wait3A_92] : memref<158x128xi32, #tpu.memory_space<vmem>> -> memref<1x128xi32, #tpu.memory_space<vmem>>
        %dma_wait3A_94 = tpu.memref_squeeze %dma_wait3A_93 : memref<1x128xi32, #tpu.memory_space<vmem>> -> memref<128xi32, #tpu.memory_space<vmem>>
        %dma_wait3A_95 = arith.constant 0 : i32
        %dma_wait3A_96 = arith.constant 0 : i32
        %dma_wait3A_97 = tpu.memref_slice %arg12[%dma_wait3A_95, %dma_wait3A_96] : memref<10112x64xf32, #tpu.memory_space<vmem_shared>> -> memref<10112x64xf32, #tpu.memory_space<vmem_shared>>
        tpu.wait_indirect_dma semaphore(%run_scoped3A_77 : memref<!tpu.dma_semaphore, #tpu.memory_space<semaphore_mem>>) src(%dma_wait3A_91 : memref<128x64xf32, #tpu.memory_space<vmem>>) dst(%dma_wait3A_97 : memref<10112x64xf32, #tpu.memory_space<vmem_shared>>)
        tpu.yield
      }) : () -> ()
      %add3A_50 = arith.constant 2 : i32
      %add3A_51 = arith.addi %add3A_39, %add3A_50 : i32
      %lt3A = arith.constant 158 : i32
      %lt3A_52 = arith.cmpi slt, %add3A_51, %lt3A : i32
      %convert_element_type3A = arith.extui %lt3A_52 : i1 to i32
      %cond3A = arith.constant 0 : i32
      %cond3A_53 = arith.cmpi ne, %convert_element_type3A, %cond3A : i32
      scf.if %cond3A_53 {
        %add3A_77 = arith.constant 2 : i32
        %add3A_78 = arith.addi %add3A_39, %add3A_77 : i32
        %dma_start3A_79 = arith.constant 0 : i32
        %dma_start3A_80 = arith.constant 0 : i32
        %dma_start3A_81 = arith.constant 0 : i32
        %dma_start3A_82 = tpu.memref_slice %arg11[%dma_start3A_79, %dma_start3A_80, %dma_start3A_81] : memref<2x128x64xf32, #tpu.memory_space<vmem>> -> memref<1x128x64xf32, #tpu.memory_space<vmem>>
        %dma_start3A_83 = tpu.memref_squeeze %dma_start3A_82 : memref<1x128x64xf32, #tpu.memory_space<vmem>> -> memref<128x64xf32, #tpu.memory_space<vmem>>
        %dma_start3A_84 = arith.constant 0 : i32
        %dma_start3A_85 = tpu.memref_slice %arg9[%add3A_78, %dma_start3A_84] : memref<158x128xi32, #tpu.memory_space<vmem>> -> memref<1x128xi32, #tpu.memory_space<vmem>>
        %dma_start3A_86 = tpu.memref_squeeze %dma_start3A_85 : memref<1x128xi32, #tpu.memory_space<vmem>> -> memref<128xi32, #tpu.memory_space<vmem>>
        %dma_start3A_87 = arith.constant 0 : i32
        %dma_start3A_88 = arith.constant 0 : i32
        %dma_start3A_89 = tpu.memref_slice %arg2[%dma_start3A_87, %dma_start3A_88] : memref<20000x64xf32, #tpu.memory_space<hbm>> -> memref<20000x64xf32, #tpu.memory_space<hbm>>
        tpu.enqueue_indirect_dma source(%dma_start3A_89 : memref<20000x64xf32, #tpu.memory_space<hbm>>) target(%dma_start3A_83 : memref<128x64xf32, #tpu.memory_space<vmem>>) offsets(%dma_start3A_86 : memref<128xi32, #tpu.memory_space<vmem>>) semaphore(%arg13 : memref<!tpu.dma_semaphore, #tpu.memory_space<semaphore_mem>>)
      } else {
      }
      %mul3A_54 = arith.constant 2 : i32
      %mul3A_55 = arith.muli %scan3A_35, %mul3A_54 : i32
      %add3A_56 = arith.constant 1 : i32
      %add3A_57 = arith.addi %mul3A_55, %add3A_56 : i32
      %dma_wait3A_58 = arith.constant 1 : i32
      %dma_wait3A_59 = arith.constant 0 : i32
      %dma_wait3A_60 = arith.constant 0 : i32
      %dma_wait3A_61 = tpu.memref_slice %arg11[%dma_wait3A_58, %dma_wait3A_59, %dma_wait3A_60] : memref<2x128x64xf32, #tpu.memory_space<vmem>> -> memref<1x128x64xf32, #tpu.memory_space<vmem>>
      %dma_wait3A_62 = tpu.memref_squeeze %dma_wait3A_61 : memref<1x128x64xf32, #tpu.memory_space<vmem>> -> memref<128x64xf32, #tpu.memory_space<vmem>>
      %dma_wait3A_63 = arith.constant 0 : i32
      %dma_wait3A_64 = tpu.memref_slice %arg9[%add3A_57, %dma_wait3A_63] : memref<158x128xi32, #tpu.memory_space<vmem>> -> memref<1x128xi32, #tpu.memory_space<vmem>>
      %dma_wait3A_65 = tpu.memref_squeeze %dma_wait3A_64 : memref<1x128xi32, #tpu.memory_space<vmem>> -> memref<128xi32, #tpu.memory_space<vmem>>
      %dma_wait3A_66 = arith.constant 0 : i32
      %dma_wait3A_67 = arith.constant 0 : i32
      %dma_wait3A_68 = tpu.memref_slice %arg2[%dma_wait3A_66, %dma_wait3A_67] : memref<20000x64xf32, #tpu.memory_space<hbm>> -> memref<20000x64xf32, #tpu.memory_space<hbm>>
      tpu.wait_indirect_dma semaphore(%arg14 : memref<!tpu.dma_semaphore, #tpu.memory_space<semaphore_mem>>) src(%dma_wait3A_68 : memref<20000x64xf32, #tpu.memory_space<hbm>>) dst(%dma_wait3A_62 : memref<128x64xf32, #tpu.memory_space<vmem>>)
      %run_scoped3A_69 = arith.constant 1 : i32
      "tpu.region"() ({
        %run_scoped3A_77 = tpu.sem_alloc : memref<!tpu.dma_semaphore, #tpu.memory_space<semaphore_mem>>
        %dma_start3A_78 = arith.constant 0 : i32
        %dma_start3A_79 = arith.constant 0 : i32
        %dma_start3A_80 = tpu.memref_slice %arg11[%run_scoped3A_69, %dma_start3A_78, %dma_start3A_79] : memref<2x128x64xf32, #tpu.memory_space<vmem>> -> memref<1x128x64xf32, #tpu.memory_space<vmem>>
        %dma_start3A_81 = tpu.memref_squeeze %dma_start3A_80 : memref<1x128x64xf32, #tpu.memory_space<vmem>> -> memref<128x64xf32, #tpu.memory_space<vmem>>
        %dma_start3A_82 = arith.constant 0 : i32
        %dma_start3A_83 = tpu.memref_slice %arg10[%add3A_57, %dma_start3A_82] : memref<158x128xi32, #tpu.memory_space<vmem>> -> memref<1x128xi32, #tpu.memory_space<vmem>>
        %dma_start3A_84 = tpu.memref_squeeze %dma_start3A_83 : memref<1x128xi32, #tpu.memory_space<vmem>> -> memref<128xi32, #tpu.memory_space<vmem>>
        %dma_start3A_85 = arith.constant 0 : i32
        %dma_start3A_86 = arith.constant 0 : i32
        %dma_start3A_87 = tpu.memref_slice %arg12[%dma_start3A_85, %dma_start3A_86] : memref<10112x64xf32, #tpu.memory_space<vmem_shared>> -> memref<10112x64xf32, #tpu.memory_space<vmem_shared>>
        tpu.enqueue_indirect_dma source(%dma_start3A_81 : memref<128x64xf32, #tpu.memory_space<vmem>>) target(%dma_start3A_87 : memref<10112x64xf32, #tpu.memory_space<vmem_shared>>) offsets(%dma_start3A_84 : memref<128xi32, #tpu.memory_space<vmem>>) semaphore(%run_scoped3A_77 : memref<!tpu.dma_semaphore, #tpu.memory_space<semaphore_mem>>) {add = true}
        %dma_wait3A_88 = arith.constant 0 : i32
        %dma_wait3A_89 = arith.constant 0 : i32
        %dma_wait3A_90 = tpu.memref_slice %arg11[%run_scoped3A_69, %dma_wait3A_88, %dma_wait3A_89] : memref<2x128x64xf32, #tpu.memory_space<vmem>> -> memref<1x128x64xf32, #tpu.memory_space<vmem>>
        %dma_wait3A_91 = tpu.memref_squeeze %dma_wait3A_90 : memref<1x128x64xf32, #tpu.memory_space<vmem>> -> memref<128x64xf32, #tpu.memory_space<vmem>>
        %dma_wait3A_92 = arith.constant 0 : i32
        %dma_wait3A_93 = tpu.memref_slice %arg10[%add3A_57, %dma_wait3A_92] : memref<158x128xi32, #tpu.memory_space<vmem>> -> memref<1x128xi32, #tpu.memory_space<vmem>>
        %dma_wait3A_94 = tpu.memref_squeeze %dma_wait3A_93 : memref<1x128xi32, #tpu.memory_space<vmem>> -> memref<128xi32, #tpu.memory_space<vmem>>
        %dma_wait3A_95 = arith.constant 0 : i32
        %dma_wait3A_96 = arith.constant 0 : i32
        %dma_wait3A_97 = tpu.memref_slice %arg12[%dma_wait3A_95, %dma_wait3A_96] : memref<10112x64xf32, #tpu.memory_space<vmem_shared>> -> memref<10112x64xf32, #tpu.memory_space<vmem_shared>>
        tpu.wait_indirect_dma semaphore(%run_scoped3A_77 : memref<!tpu.dma_semaphore, #tpu.memory_space<semaphore_mem>>) src(%dma_wait3A_91 : memref<128x64xf32, #tpu.memory_space<vmem>>) dst(%dma_wait3A_97 : memref<10112x64xf32, #tpu.memory_space<vmem_shared>>)
        tpu.yield
      }) : () -> ()
      %add3A_70 = arith.constant 2 : i32
      %add3A_71 = arith.addi %add3A_57, %add3A_70 : i32
      %lt3A_72 = arith.constant 158 : i32
      %lt3A_73 = arith.cmpi slt, %add3A_71, %lt3A_72 : i32
      %convert_element_type3A_74 = arith.extui %lt3A_73 : i1 to i32
      %cond3A_75 = arith.constant 0 : i32
      %cond3A_76 = arith.cmpi ne, %convert_element_type3A_74, %cond3A_75 : i32
      scf.if %cond3A_76 {
        %add3A_77 = arith.constant 2 : i32
        %add3A_78 = arith.addi %add3A_57, %add3A_77 : i32
        %dma_start3A_79 = arith.constant 1 : i32
        %dma_start3A_80 = arith.constant 0 : i32
        %dma_start3A_81 = arith.constant 0 : i32
        %dma_start3A_82 = tpu.memref_slice %arg11[%dma_start3A_79, %dma_start3A_80, %dma_start3A_81] : memref<2x128x64xf32, #tpu.memory_space<vmem>> -> memref<1x128x64xf32, #tpu.memory_space<vmem>>
        %dma_start3A_83 = tpu.memref_squeeze %dma_start3A_82 : memref<1x128x64xf32, #tpu.memory_space<vmem>> -> memref<128x64xf32, #tpu.memory_space<vmem>>
        %dma_start3A_84 = arith.constant 0 : i32
        %dma_start3A_85 = tpu.memref_slice %arg9[%add3A_78, %dma_start3A_84] : memref<158x128xi32, #tpu.memory_space<vmem>> -> memref<1x128xi32, #tpu.memory_space<vmem>>
        %dma_start3A_86 = tpu.memref_squeeze %dma_start3A_85 : memref<1x128xi32, #tpu.memory_space<vmem>> -> memref<128xi32, #tpu.memory_space<vmem>>
        %dma_start3A_87 = arith.constant 0 : i32
        %dma_start3A_88 = arith.constant 0 : i32
        %dma_start3A_89 = tpu.memref_slice %arg2[%dma_start3A_87, %dma_start3A_88] : memref<20000x64xf32, #tpu.memory_space<hbm>> -> memref<20000x64xf32, #tpu.memory_space<hbm>>
        tpu.enqueue_indirect_dma source(%dma_start3A_89 : memref<20000x64xf32, #tpu.memory_space<hbm>>) target(%dma_start3A_83 : memref<128x64xf32, #tpu.memory_space<vmem>>) offsets(%dma_start3A_86 : memref<128xi32, #tpu.memory_space<vmem>>) semaphore(%arg14 : memref<!tpu.dma_semaphore, #tpu.memory_space<semaphore_mem>>)
      } else {
      }
    }
    %scan3A_30 = arith.constant 79 : i32
    %barrier3A_31 = arith.constant 0 : index
    tpu.barrier barrier_id(%barrier3A_31)
    %mul3A_32 = arith.constant 10112 : i32
    %mul3A_33 = arith.muli %arg0, %mul3A_32 : i32
    %add3A_34 = arith.addi %mul3A_33, %mul3A_2 : i32
    "tpu.region"() ({
      %run_scoped3A = tpu.sem_alloc : memref<!tpu.dma_semaphore, #tpu.memory_space<semaphore_mem>>
      %dma_start3A_35 = arith.constant 0 : i32
      %dma_start3A_36 = tpu.memref_slice %arg8[%add3A_34, %dma_start3A_35] : memref<20224x64xf32, #tpu.memory_space<hbm>> -> memref<632x64xf32, #tpu.memory_space<hbm>>
      %dma_start3A_37 = arith.constant 0 : i32
      %dma_start3A_38 = tpu.memref_slice %arg12[%mul3A_2, %dma_start3A_37] : memref<10112x64xf32, #tpu.memory_space<vmem_shared>> -> memref<632x64xf32, #tpu.memory_space<vmem_shared>>
      tpu.enqueue_dma source(%dma_start3A_38 : memref<632x64xf32, #tpu.memory_space<vmem_shared>>) target(%dma_start3A_36 : memref<632x64xf32, #tpu.memory_space<hbm>>) target_semaphore(%run_scoped3A : memref<!tpu.dma_semaphore, #tpu.memory_space<semaphore_mem>>)
      %dma_wait3A = arith.constant 0 : i32
      %dma_wait3A_39 = tpu.memref_slice %arg8[%add3A_34, %dma_wait3A] : memref<20224x64xf32, #tpu.memory_space<hbm>> -> memref<632x64xf32, #tpu.memory_space<hbm>>
      %dma_wait3A_40 = arith.constant 0 : i32
      %dma_wait3A_41 = tpu.memref_slice %arg12[%mul3A_2, %dma_wait3A_40] : memref<10112x64xf32, #tpu.memory_space<vmem_shared>> -> memref<632x64xf32, #tpu.memory_space<vmem_shared>>
      tpu.wait_dma2 semaphore(%run_scoped3A : memref<!tpu.dma_semaphore, #tpu.memory_space<semaphore_mem>>) src(%dma_wait3A_41 : memref<632x64xf32, #tpu.memory_space<vmem_shared>>) dst(%dma_wait3A_39 : memref<632x64xf32, #tpu.memory_space<hbm>>)
      tpu.yield
    }) : () -> ()
    return
  }
}

#map = affine_map<(d0, d1) -> (0, 0)>
#map1 = affine_map<(d0, d1) -> (0, 0, 0)>
module attributes {stable_mosaic.version = 14 : i64} {
  func.func @body(%arg0: i32, %arg1: i32, %arg2: memref<20000x64xf32, #tpu.memory_space<hbm>>, %arg3: memref<32x158x128xi32, #tpu.memory_space<hbm>>, %arg4: memref<32x158x128xi32, #tpu.memory_space<hbm>>, %arg5: memref<10112x64xf32, #tpu.memory_space<hbm>>, %arg6: memref<10112x16xf32, #tpu.memory_space<hbm>>, %arg7: memref<128x16xf32, #tpu.memory_space<hbm>>, %arg8: memref<20224x64xf32, #tpu.memory_space<hbm>>, %arg9: memref<20224x16xf32, #tpu.memory_space<hbm>>, %arg10: memref<158x128xi32, #tpu.memory_space<vmem>>, %arg11: memref<158x128xi32, #tpu.memory_space<vmem>>, %arg12: memref<2x128x64xf32, #tpu.memory_space<vmem>>, %arg13: memref<10112x64xf32, #tpu.memory_space<vmem_shared>>, %arg14: memref<!tpu.dma_semaphore, #tpu.memory_space<semaphore_mem>>, %arg15: memref<!tpu.dma_semaphore, #tpu.memory_space<semaphore_mem>>, %arg16: memref<128x16xf32, #tpu.memory_space<vmem>>, %arg17: memref<10112x16xf32, #tpu.memory_space<vmem_shared>>) attributes {dimension_semantics = [#tpu.dimension_semantics<core_parallel>, #tpu.dimension_semantics<subcore_parallel>], iteration_bounds = array<i64: 2, 16>, scalar_prefetch = 0 : i64, scratch_operands = 8 : i64, tpu.core_type = #tpu.core_type<sc_vector_subcore>, window_params = [{transform_indices = #map}, {transform_indices = #map1}, {transform_indices = #map1}, {transform_indices = #map}, {transform_indices = #map}, {transform_indices = #map}, {transform_indices = #map}, {transform_indices = #map}]} {
    %mul3A = arith.constant 16 : i32
    %mul3A_0 = arith.muli %arg0, %mul3A : i32
    %add3A = arith.addi %mul3A_0, %arg1 : i32
    %mul3A_1 = arith.constant 632 : i32
    %mul3A_2 = arith.muli %arg1, %mul3A_1 : i32
    "tpu.region"() ({
      %run_scoped3A = tpu.sem_alloc : memref<!tpu.dma_semaphore, #tpu.memory_space<semaphore_mem>>
      %dma_start3A_35 = arith.constant 0 : i32
      %dma_start3A_36 = arith.constant 0 : i32
      %dma_start3A_37 = tpu.memref_slice %arg3[%add3A, %dma_start3A_35, %dma_start3A_36] : memref<32x158x128xi32, #tpu.memory_space<hbm>> -> memref<1x158x128xi32, #tpu.memory_space<hbm>>
      %dma_start3A_38 = tpu.memref_squeeze %dma_start3A_37 : memref<1x158x128xi32, #tpu.memory_space<hbm>> -> memref<158x128xi32, #tpu.memory_space<hbm>>
      %dma_start3A_39 = arith.constant 0 : i32
      %dma_start3A_40 = arith.constant 0 : i32
      %dma_start3A_41 = tpu.memref_slice %arg3[%add3A, %dma_start3A_39, %dma_start3A_40] : memref<32x158x128xi32, #tpu.memory_space<hbm>> -> memref<1x158x128xi32, #tpu.memory_space<hbm>>
      %dma_start3A_42 = tpu.memref_squeeze %dma_start3A_41 : memref<1x158x128xi32, #tpu.memory_space<hbm>> -> memref<158x128xi32, #tpu.memory_space<hbm>>
      tpu.enqueue_dma source(%dma_start3A_42 : memref<158x128xi32, #tpu.memory_space<hbm>>) target(%arg10 : memref<158x128xi32, #tpu.memory_space<vmem>>) target_semaphore(%run_scoped3A : memref<!tpu.dma_semaphore, #tpu.memory_space<semaphore_mem>>)
      %dma_wait3A = arith.constant 0 : i32
      %dma_wait3A_43 = arith.constant 0 : i32
      %dma_wait3A_44 = tpu.memref_slice %arg3[%add3A, %dma_wait3A, %dma_wait3A_43] : memref<32x158x128xi32, #tpu.memory_space<hbm>> -> memref<1x158x128xi32, #tpu.memory_space<hbm>>
      %dma_wait3A_45 = tpu.memref_squeeze %dma_wait3A_44 : memref<1x158x128xi32, #tpu.memory_space<hbm>> -> memref<158x128xi32, #tpu.memory_space<hbm>>
      %dma_wait3A_46 = arith.constant 0 : i32
      %dma_wait3A_47 = arith.constant 0 : i32
      %dma_wait3A_48 = tpu.memref_slice %arg3[%add3A, %dma_wait3A_46, %dma_wait3A_47] : memref<32x158x128xi32, #tpu.memory_space<hbm>> -> memref<1x158x128xi32, #tpu.memory_space<hbm>>
      %dma_wait3A_49 = tpu.memref_squeeze %dma_wait3A_48 : memref<1x158x128xi32, #tpu.memory_space<hbm>> -> memref<158x128xi32, #tpu.memory_space<hbm>>
      tpu.wait_dma2 semaphore(%run_scoped3A : memref<!tpu.dma_semaphore, #tpu.memory_space<semaphore_mem>>) src(%dma_wait3A_49 : memref<158x128xi32, #tpu.memory_space<hbm>>) dst(%arg10 : memref<158x128xi32, #tpu.memory_space<vmem>>)
      tpu.yield
    }) : () -> ()
    %dma_start3A = arith.constant 0 : i32
    %dma_start3A_3 = arith.constant 0 : i32
    %dma_start3A_4 = arith.constant 0 : i32
    %dma_start3A_5 = arith.constant 0 : i32
    %dma_start3A_6 = tpu.memref_slice %arg12[%dma_start3A_3, %dma_start3A_4, %dma_start3A_5] : memref<2x128x64xf32, #tpu.memory_space<vmem>> -> memref<1x128x64xf32, #tpu.memory_space<vmem>>
    %dma_start3A_7 = tpu.memref_squeeze %dma_start3A_6 : memref<1x128x64xf32, #tpu.memory_space<vmem>> -> memref<128x64xf32, #tpu.memory_space<vmem>>
    %dma_start3A_8 = arith.constant 0 : i32
    %dma_start3A_9 = tpu.memref_slice %arg10[%dma_start3A, %dma_start3A_8] : memref<158x128xi32, #tpu.memory_space<vmem>> -> memref<1x128xi32, #tpu.memory_space<vmem>>
    %dma_start3A_10 = tpu.memref_squeeze %dma_start3A_9 : memref<1x128xi32, #tpu.memory_space<vmem>> -> memref<128xi32, #tpu.memory_space<vmem>>
    %dma_start3A_11 = arith.constant 0 : i32
    %dma_start3A_12 = arith.constant 0 : i32
    %dma_start3A_13 = tpu.memref_slice %arg2[%dma_start3A_11, %dma_start3A_12] : memref<20000x64xf32, #tpu.memory_space<hbm>> -> memref<20000x64xf32, #tpu.memory_space<hbm>>
    tpu.enqueue_indirect_dma source(%dma_start3A_13 : memref<20000x64xf32, #tpu.memory_space<hbm>>) target(%dma_start3A_7 : memref<128x64xf32, #tpu.memory_space<vmem>>) offsets(%dma_start3A_10 : memref<128xi32, #tpu.memory_space<vmem>>) semaphore(%arg14 : memref<!tpu.dma_semaphore, #tpu.memory_space<semaphore_mem>>)
    %dma_start3A_14 = arith.constant 1 : i32
    %dma_start3A_15 = arith.constant 1 : i32
    %dma_start3A_16 = arith.constant 0 : i32
    %dma_start3A_17 = arith.constant 0 : i32
    %dma_start3A_18 = tpu.memref_slice %arg12[%dma_start3A_15, %dma_start3A_16, %dma_start3A_17] : memref<2x128x64xf32, #tpu.memory_space<vmem>> -> memref<1x128x64xf32, #tpu.memory_space<vmem>>
    %dma_start3A_19 = tpu.memref_squeeze %dma_start3A_18 : memref<1x128x64xf32, #tpu.memory_space<vmem>> -> memref<128x64xf32, #tpu.memory_space<vmem>>
    %dma_start3A_20 = arith.constant 0 : i32
    %dma_start3A_21 = tpu.memref_slice %arg10[%dma_start3A_14, %dma_start3A_20] : memref<158x128xi32, #tpu.memory_space<vmem>> -> memref<1x128xi32, #tpu.memory_space<vmem>>
    %dma_start3A_22 = tpu.memref_squeeze %dma_start3A_21 : memref<1x128xi32, #tpu.memory_space<vmem>> -> memref<128xi32, #tpu.memory_space<vmem>>
    %dma_start3A_23 = arith.constant 0 : i32
    %dma_start3A_24 = arith.constant 0 : i32
    %dma_start3A_25 = tpu.memref_slice %arg2[%dma_start3A_23, %dma_start3A_24] : memref<20000x64xf32, #tpu.memory_space<hbm>> -> memref<20000x64xf32, #tpu.memory_space<hbm>>
    tpu.enqueue_indirect_dma source(%dma_start3A_25 : memref<20000x64xf32, #tpu.memory_space<hbm>>) target(%dma_start3A_19 : memref<128x64xf32, #tpu.memory_space<vmem>>) offsets(%dma_start3A_22 : memref<128xi32, #tpu.memory_space<vmem>>) semaphore(%arg15 : memref<!tpu.dma_semaphore, #tpu.memory_space<semaphore_mem>>)
    "tpu.region"() ({
      %run_scoped3A = tpu.sem_alloc : memref<!tpu.dma_semaphore, #tpu.memory_space<semaphore_mem>>
      %dma_start3A_35 = arith.constant 0 : i32
      %dma_start3A_36 = tpu.memref_slice %arg13[%mul3A_2, %dma_start3A_35] : memref<10112x64xf32, #tpu.memory_space<vmem_shared>> -> memref<632x64xf32, #tpu.memory_space<vmem_shared>>
      %dma_start3A_37 = arith.constant 0 : i32
      %dma_start3A_38 = tpu.memref_slice %arg5[%mul3A_2, %dma_start3A_37] : memref<10112x64xf32, #tpu.memory_space<hbm>> -> memref<632x64xf32, #tpu.memory_space<hbm>>
      tpu.enqueue_dma source(%dma_start3A_38 : memref<632x64xf32, #tpu.memory_space<hbm>>) target(%dma_start3A_36 : memref<632x64xf32, #tpu.memory_space<vmem_shared>>) target_semaphore(%run_scoped3A : memref<!tpu.dma_semaphore, #tpu.memory_space<semaphore_mem>>)
      %dma_wait3A = arith.constant 0 : i32
      %dma_wait3A_39 = tpu.memref_slice %arg13[%mul3A_2, %dma_wait3A] : memref<10112x64xf32, #tpu.memory_space<vmem_shared>> -> memref<632x64xf32, #tpu.memory_space<vmem_shared>>
      %dma_wait3A_40 = arith.constant 0 : i32
      %dma_wait3A_41 = tpu.memref_slice %arg5[%mul3A_2, %dma_wait3A_40] : memref<10112x64xf32, #tpu.memory_space<hbm>> -> memref<632x64xf32, #tpu.memory_space<hbm>>
      tpu.wait_dma2 semaphore(%run_scoped3A : memref<!tpu.dma_semaphore, #tpu.memory_space<semaphore_mem>>) src(%dma_wait3A_41 : memref<632x64xf32, #tpu.memory_space<hbm>>) dst(%dma_wait3A_39 : memref<632x64xf32, #tpu.memory_space<vmem_shared>>)
      tpu.yield
    }) : () -> ()
    "tpu.region"() ({
      %run_scoped3A = tpu.sem_alloc : memref<!tpu.dma_semaphore, #tpu.memory_space<semaphore_mem>>
      %dma_start3A_35 = arith.constant 0 : i32
      %dma_start3A_36 = tpu.memref_slice %arg17[%mul3A_2, %dma_start3A_35] : memref<10112x16xf32, #tpu.memory_space<vmem_shared>> -> memref<632x16xf32, #tpu.memory_space<vmem_shared>>
      %dma_start3A_37 = arith.constant 0 : i32
      %dma_start3A_38 = tpu.memref_slice %arg6[%mul3A_2, %dma_start3A_37] : memref<10112x16xf32, #tpu.memory_space<hbm>> -> memref<632x16xf32, #tpu.memory_space<hbm>>
      tpu.enqueue_dma source(%dma_start3A_38 : memref<632x16xf32, #tpu.memory_space<hbm>>) target(%dma_start3A_36 : memref<632x16xf32, #tpu.memory_space<vmem_shared>>) target_semaphore(%run_scoped3A : memref<!tpu.dma_semaphore, #tpu.memory_space<semaphore_mem>>)
      %dma_wait3A = arith.constant 0 : i32
      %dma_wait3A_39 = tpu.memref_slice %arg17[%mul3A_2, %dma_wait3A] : memref<10112x16xf32, #tpu.memory_space<vmem_shared>> -> memref<632x16xf32, #tpu.memory_space<vmem_shared>>
      %dma_wait3A_40 = arith.constant 0 : i32
      %dma_wait3A_41 = tpu.memref_slice %arg6[%mul3A_2, %dma_wait3A_40] : memref<10112x16xf32, #tpu.memory_space<hbm>> -> memref<632x16xf32, #tpu.memory_space<hbm>>
      tpu.wait_dma2 semaphore(%run_scoped3A : memref<!tpu.dma_semaphore, #tpu.memory_space<semaphore_mem>>) src(%dma_wait3A_41 : memref<632x16xf32, #tpu.memory_space<hbm>>) dst(%dma_wait3A_39 : memref<632x16xf32, #tpu.memory_space<vmem_shared>>)
      tpu.yield
    }) : () -> ()
    "tpu.region"() ({
      %run_scoped3A = tpu.sem_alloc : memref<!tpu.dma_semaphore, #tpu.memory_space<semaphore_mem>>
      tpu.enqueue_dma source(%arg7 : memref<128x16xf32, #tpu.memory_space<hbm>>) target(%arg16 : memref<128x16xf32, #tpu.memory_space<vmem>>) target_semaphore(%run_scoped3A : memref<!tpu.dma_semaphore, #tpu.memory_space<semaphore_mem>>)
      tpu.wait_dma2 semaphore(%run_scoped3A : memref<!tpu.dma_semaphore, #tpu.memory_space<semaphore_mem>>) src(%arg7 : memref<128x16xf32, #tpu.memory_space<hbm>>) dst(%arg16 : memref<128x16xf32, #tpu.memory_space<vmem>>)
      tpu.yield
    }) : () -> ()
    "tpu.region"() ({
      %run_scoped3A = tpu.sem_alloc : memref<!tpu.dma_semaphore, #tpu.memory_space<semaphore_mem>>
      %dma_start3A_35 = arith.constant 0 : i32
      %dma_start3A_36 = arith.constant 0 : i32
      %dma_start3A_37 = tpu.memref_slice %arg4[%add3A, %dma_start3A_35, %dma_start3A_36] : memref<32x158x128xi32, #tpu.memory_space<hbm>> -> memref<1x158x128xi32, #tpu.memory_space<hbm>>
      %dma_start3A_38 = tpu.memref_squeeze %dma_start3A_37 : memref<1x158x128xi32, #tpu.memory_space<hbm>> -> memref<158x128xi32, #tpu.memory_space<hbm>>
      %dma_start3A_39 = arith.constant 0 : i32
      %dma_start3A_40 = arith.constant 0 : i32
      %dma_start3A_41 = tpu.memref_slice %arg4[%add3A, %dma_start3A_39, %dma_start3A_40] : memref<32x158x128xi32, #tpu.memory_space<hbm>> -> memref<1x158x128xi32, #tpu.memory_space<hbm>>
      %dma_start3A_42 = tpu.memref_squeeze %dma_start3A_41 : memref<1x158x128xi32, #tpu.memory_space<hbm>> -> memref<158x128xi32, #tpu.memory_space<hbm>>
      tpu.enqueue_dma source(%dma_start3A_42 : memref<158x128xi32, #tpu.memory_space<hbm>>) target(%arg11 : memref<158x128xi32, #tpu.memory_space<vmem>>) target_semaphore(%run_scoped3A : memref<!tpu.dma_semaphore, #tpu.memory_space<semaphore_mem>>)
      %dma_wait3A = arith.constant 0 : i32
      %dma_wait3A_43 = arith.constant 0 : i32
      %dma_wait3A_44 = tpu.memref_slice %arg4[%add3A, %dma_wait3A, %dma_wait3A_43] : memref<32x158x128xi32, #tpu.memory_space<hbm>> -> memref<1x158x128xi32, #tpu.memory_space<hbm>>
      %dma_wait3A_45 = tpu.memref_squeeze %dma_wait3A_44 : memref<1x158x128xi32, #tpu.memory_space<hbm>> -> memref<158x128xi32, #tpu.memory_space<hbm>>
      %dma_wait3A_46 = arith.constant 0 : i32
      %dma_wait3A_47 = arith.constant 0 : i32
      %dma_wait3A_48 = tpu.memref_slice %arg4[%add3A, %dma_wait3A_46, %dma_wait3A_47] : memref<32x158x128xi32, #tpu.memory_space<hbm>> -> memref<1x158x128xi32, #tpu.memory_space<hbm>>
      %dma_wait3A_49 = tpu.memref_squeeze %dma_wait3A_48 : memref<1x158x128xi32, #tpu.memory_space<hbm>> -> memref<158x128xi32, #tpu.memory_space<hbm>>
      tpu.wait_dma2 semaphore(%run_scoped3A : memref<!tpu.dma_semaphore, #tpu.memory_space<semaphore_mem>>) src(%dma_wait3A_49 : memref<158x128xi32, #tpu.memory_space<hbm>>) dst(%arg11 : memref<158x128xi32, #tpu.memory_space<vmem>>)
      tpu.yield
    }) : () -> ()
    %barrier3A = arith.constant 0 : index
    tpu.barrier barrier_id(%barrier3A)
    %scan3A = arith.constant 0 : i32
    %scan3A_26 = arith.constant 0 : i32
    %scan3A_27 = arith.constant 79 : i32
    %scan3A_28 = arith.addi %scan3A_26, %scan3A_27 : i32
    %scan3A_29 = arith.constant 1 : i32
    scf.for %scan3A_35 = %scan3A_26 to %scan3A_28 step %scan3A_29  : i32 {
      %mul3A_36 = arith.constant 2 : i32
      %mul3A_37 = arith.muli %scan3A_35, %mul3A_36 : i32
      %add3A_38 = arith.constant 0 : i32
      %add3A_39 = arith.addi %mul3A_37, %add3A_38 : i32
      %dma_wait3A = arith.constant 0 : i32
      %dma_wait3A_40 = arith.constant 0 : i32
      %dma_wait3A_41 = arith.constant 0 : i32
      %dma_wait3A_42 = tpu.memref_slice %arg12[%dma_wait3A, %dma_wait3A_40, %dma_wait3A_41] : memref<2x128x64xf32, #tpu.memory_space<vmem>> -> memref<1x128x64xf32, #tpu.memory_space<vmem>>
      %dma_wait3A_43 = tpu.memref_squeeze %dma_wait3A_42 : memref<1x128x64xf32, #tpu.memory_space<vmem>> -> memref<128x64xf32, #tpu.memory_space<vmem>>
      %dma_wait3A_44 = arith.constant 0 : i32
      %dma_wait3A_45 = tpu.memref_slice %arg10[%add3A_39, %dma_wait3A_44] : memref<158x128xi32, #tpu.memory_space<vmem>> -> memref<1x128xi32, #tpu.memory_space<vmem>>
      %dma_wait3A_46 = tpu.memref_squeeze %dma_wait3A_45 : memref<1x128xi32, #tpu.memory_space<vmem>> -> memref<128xi32, #tpu.memory_space<vmem>>
      %dma_wait3A_47 = arith.constant 0 : i32
      %dma_wait3A_48 = arith.constant 0 : i32
      %dma_wait3A_49 = tpu.memref_slice %arg2[%dma_wait3A_47, %dma_wait3A_48] : memref<20000x64xf32, #tpu.memory_space<hbm>> -> memref<20000x64xf32, #tpu.memory_space<hbm>>
      tpu.wait_indirect_dma semaphore(%arg14 : memref<!tpu.dma_semaphore, #tpu.memory_space<semaphore_mem>>) src(%dma_wait3A_49 : memref<20000x64xf32, #tpu.memory_space<hbm>>) dst(%dma_wait3A_43 : memref<128x64xf32, #tpu.memory_space<vmem>>)
      %run_scoped3A = arith.constant 0 : i32
      "tpu.region"() ({
        %run_scoped3A_77 = tpu.sem_alloc : memref<!tpu.dma_semaphore, #tpu.memory_space<semaphore_mem>>
        %dma_start3A_78 = arith.constant 0 : i32
        %dma_start3A_79 = arith.constant 0 : i32
        %dma_start3A_80 = tpu.memref_slice %arg12[%run_scoped3A, %dma_start3A_78, %dma_start3A_79] : memref<2x128x64xf32, #tpu.memory_space<vmem>> -> memref<1x128x64xf32, #tpu.memory_space<vmem>>
        %dma_start3A_81 = tpu.memref_squeeze %dma_start3A_80 : memref<1x128x64xf32, #tpu.memory_space<vmem>> -> memref<128x64xf32, #tpu.memory_space<vmem>>
        %dma_start3A_82 = arith.constant 0 : i32
        %dma_start3A_83 = tpu.memref_slice %arg11[%add3A_39, %dma_start3A_82] : memref<158x128xi32, #tpu.memory_space<vmem>> -> memref<1x128xi32, #tpu.memory_space<vmem>>
        %dma_start3A_84 = tpu.memref_squeeze %dma_start3A_83 : memref<1x128xi32, #tpu.memory_space<vmem>> -> memref<128xi32, #tpu.memory_space<vmem>>
        %dma_start3A_85 = arith.constant 0 : i32
        %dma_start3A_86 = arith.constant 0 : i32
        %dma_start3A_87 = tpu.memref_slice %arg13[%dma_start3A_85, %dma_start3A_86] : memref<10112x64xf32, #tpu.memory_space<vmem_shared>> -> memref<10112x64xf32, #tpu.memory_space<vmem_shared>>
        tpu.enqueue_indirect_dma source(%dma_start3A_81 : memref<128x64xf32, #tpu.memory_space<vmem>>) target(%dma_start3A_87 : memref<10112x64xf32, #tpu.memory_space<vmem_shared>>) offsets(%dma_start3A_84 : memref<128xi32, #tpu.memory_space<vmem>>) semaphore(%run_scoped3A_77 : memref<!tpu.dma_semaphore, #tpu.memory_space<semaphore_mem>>) {add = true}
        %dma_wait3A_88 = arith.constant 0 : i32
        %dma_wait3A_89 = arith.constant 0 : i32
        %dma_wait3A_90 = tpu.memref_slice %arg12[%run_scoped3A, %dma_wait3A_88, %dma_wait3A_89] : memref<2x128x64xf32, #tpu.memory_space<vmem>> -> memref<1x128x64xf32, #tpu.memory_space<vmem>>
        %dma_wait3A_91 = tpu.memref_squeeze %dma_wait3A_90 : memref<1x128x64xf32, #tpu.memory_space<vmem>> -> memref<128x64xf32, #tpu.memory_space<vmem>>
        %dma_wait3A_92 = arith.constant 0 : i32
        %dma_wait3A_93 = tpu.memref_slice %arg11[%add3A_39, %dma_wait3A_92] : memref<158x128xi32, #tpu.memory_space<vmem>> -> memref<1x128xi32, #tpu.memory_space<vmem>>
        %dma_wait3A_94 = tpu.memref_squeeze %dma_wait3A_93 : memref<1x128xi32, #tpu.memory_space<vmem>> -> memref<128xi32, #tpu.memory_space<vmem>>
        %dma_wait3A_95 = arith.constant 0 : i32
        %dma_wait3A_96 = arith.constant 0 : i32
        %dma_wait3A_97 = tpu.memref_slice %arg13[%dma_wait3A_95, %dma_wait3A_96] : memref<10112x64xf32, #tpu.memory_space<vmem_shared>> -> memref<10112x64xf32, #tpu.memory_space<vmem_shared>>
        tpu.wait_indirect_dma semaphore(%run_scoped3A_77 : memref<!tpu.dma_semaphore, #tpu.memory_space<semaphore_mem>>) src(%dma_wait3A_91 : memref<128x64xf32, #tpu.memory_space<vmem>>) dst(%dma_wait3A_97 : memref<10112x64xf32, #tpu.memory_space<vmem_shared>>)
        tpu.yield
      }) : () -> ()
      "tpu.region"() ({
        %run_scoped3A_77 = tpu.sem_alloc : memref<!tpu.dma_semaphore, #tpu.memory_space<semaphore_mem>>
        %dma_start3A_78 = arith.constant 0 : i32
        %dma_start3A_79 = tpu.memref_slice %arg11[%add3A_39, %dma_start3A_78] : memref<158x128xi32, #tpu.memory_space<vmem>> -> memref<1x128xi32, #tpu.memory_space<vmem>>
        %dma_start3A_80 = tpu.memref_squeeze %dma_start3A_79 : memref<1x128xi32, #tpu.memory_space<vmem>> -> memref<128xi32, #tpu.memory_space<vmem>>
        %dma_start3A_81 = arith.constant 0 : i32
        %dma_start3A_82 = arith.constant 0 : i32
        %dma_start3A_83 = tpu.memref_slice %arg17[%dma_start3A_81, %dma_start3A_82] : memref<10112x16xf32, #tpu.memory_space<vmem_shared>> -> memref<10112x16xf32, #tpu.memory_space<vmem_shared>>
        tpu.enqueue_indirect_dma source(%arg16 : memref<128x16xf32, #tpu.memory_space<vmem>>) target(%dma_start3A_83 : memref<10112x16xf32, #tpu.memory_space<vmem_shared>>) offsets(%dma_start3A_80 : memref<128xi32, #tpu.memory_space<vmem>>) semaphore(%run_scoped3A_77 : memref<!tpu.dma_semaphore, #tpu.memory_space<semaphore_mem>>) {add = true}
        %dma_wait3A_84 = arith.constant 0 : i32
        %dma_wait3A_85 = tpu.memref_slice %arg11[%add3A_39, %dma_wait3A_84] : memref<158x128xi32, #tpu.memory_space<vmem>> -> memref<1x128xi32, #tpu.memory_space<vmem>>
        %dma_wait3A_86 = tpu.memref_squeeze %dma_wait3A_85 : memref<1x128xi32, #tpu.memory_space<vmem>> -> memref<128xi32, #tpu.memory_space<vmem>>
        %dma_wait3A_87 = arith.constant 0 : i32
        %dma_wait3A_88 = arith.constant 0 : i32
        %dma_wait3A_89 = tpu.memref_slice %arg17[%dma_wait3A_87, %dma_wait3A_88] : memref<10112x16xf32, #tpu.memory_space<vmem_shared>> -> memref<10112x16xf32, #tpu.memory_space<vmem_shared>>
        tpu.wait_indirect_dma semaphore(%run_scoped3A_77 : memref<!tpu.dma_semaphore, #tpu.memory_space<semaphore_mem>>) src(%arg16 : memref<128x16xf32, #tpu.memory_space<vmem>>) dst(%dma_wait3A_89 : memref<10112x16xf32, #tpu.memory_space<vmem_shared>>)
        tpu.yield
      }) : () -> ()
      %add3A_50 = arith.constant 2 : i32
      %add3A_51 = arith.addi %add3A_39, %add3A_50 : i32
      %lt3A = arith.constant 158 : i32
      %lt3A_52 = arith.cmpi slt, %add3A_51, %lt3A : i32
      %convert_element_type3A = arith.extui %lt3A_52 : i1 to i32
      %cond3A = arith.constant 0 : i32
      %cond3A_53 = arith.cmpi ne, %convert_element_type3A, %cond3A : i32
      scf.if %cond3A_53 {
        %add3A_77 = arith.constant 2 : i32
        %add3A_78 = arith.addi %add3A_39, %add3A_77 : i32
        %dma_start3A_79 = arith.constant 0 : i32
        %dma_start3A_80 = arith.constant 0 : i32
        %dma_start3A_81 = arith.constant 0 : i32
        %dma_start3A_82 = tpu.memref_slice %arg12[%dma_start3A_79, %dma_start3A_80, %dma_start3A_81] : memref<2x128x64xf32, #tpu.memory_space<vmem>> -> memref<1x128x64xf32, #tpu.memory_space<vmem>>
        %dma_start3A_83 = tpu.memref_squeeze %dma_start3A_82 : memref<1x128x64xf32, #tpu.memory_space<vmem>> -> memref<128x64xf32, #tpu.memory_space<vmem>>
        %dma_start3A_84 = arith.constant 0 : i32
        %dma_start3A_85 = tpu.memref_slice %arg10[%add3A_78, %dma_start3A_84] : memref<158x128xi32, #tpu.memory_space<vmem>> -> memref<1x128xi32, #tpu.memory_space<vmem>>
        %dma_start3A_86 = tpu.memref_squeeze %dma_start3A_85 : memref<1x128xi32, #tpu.memory_space<vmem>> -> memref<128xi32, #tpu.memory_space<vmem>>
        %dma_start3A_87 = arith.constant 0 : i32
        %dma_start3A_88 = arith.constant 0 : i32
        %dma_start3A_89 = tpu.memref_slice %arg2[%dma_start3A_87, %dma_start3A_88] : memref<20000x64xf32, #tpu.memory_space<hbm>> -> memref<20000x64xf32, #tpu.memory_space<hbm>>
        tpu.enqueue_indirect_dma source(%dma_start3A_89 : memref<20000x64xf32, #tpu.memory_space<hbm>>) target(%dma_start3A_83 : memref<128x64xf32, #tpu.memory_space<vmem>>) offsets(%dma_start3A_86 : memref<128xi32, #tpu.memory_space<vmem>>) semaphore(%arg14 : memref<!tpu.dma_semaphore, #tpu.memory_space<semaphore_mem>>)
      } else {
      }
      %mul3A_54 = arith.constant 2 : i32
      %mul3A_55 = arith.muli %scan3A_35, %mul3A_54 : i32
      %add3A_56 = arith.constant 1 : i32
      %add3A_57 = arith.addi %mul3A_55, %add3A_56 : i32
      %dma_wait3A_58 = arith.constant 1 : i32
      %dma_wait3A_59 = arith.constant 0 : i32
      %dma_wait3A_60 = arith.constant 0 : i32
      %dma_wait3A_61 = tpu.memref_slice %arg12[%dma_wait3A_58, %dma_wait3A_59, %dma_wait3A_60] : memref<2x128x64xf32, #tpu.memory_space<vmem>> -> memref<1x128x64xf32, #tpu.memory_space<vmem>>
      %dma_wait3A_62 = tpu.memref_squeeze %dma_wait3A_61 : memref<1x128x64xf32, #tpu.memory_space<vmem>> -> memref<128x64xf32, #tpu.memory_space<vmem>>
      %dma_wait3A_63 = arith.constant 0 : i32
      %dma_wait3A_64 = tpu.memref_slice %arg10[%add3A_57, %dma_wait3A_63] : memref<158x128xi32, #tpu.memory_space<vmem>> -> memref<1x128xi32, #tpu.memory_space<vmem>>
      %dma_wait3A_65 = tpu.memref_squeeze %dma_wait3A_64 : memref<1x128xi32, #tpu.memory_space<vmem>> -> memref<128xi32, #tpu.memory_space<vmem>>
      %dma_wait3A_66 = arith.constant 0 : i32
      %dma_wait3A_67 = arith.constant 0 : i32
      %dma_wait3A_68 = tpu.memref_slice %arg2[%dma_wait3A_66, %dma_wait3A_67] : memref<20000x64xf32, #tpu.memory_space<hbm>> -> memref<20000x64xf32, #tpu.memory_space<hbm>>
      tpu.wait_indirect_dma semaphore(%arg15 : memref<!tpu.dma_semaphore, #tpu.memory_space<semaphore_mem>>) src(%dma_wait3A_68 : memref<20000x64xf32, #tpu.memory_space<hbm>>) dst(%dma_wait3A_62 : memref<128x64xf32, #tpu.memory_space<vmem>>)
      %run_scoped3A_69 = arith.constant 1 : i32
      "tpu.region"() ({
        %run_scoped3A_77 = tpu.sem_alloc : memref<!tpu.dma_semaphore, #tpu.memory_space<semaphore_mem>>
        %dma_start3A_78 = arith.constant 0 : i32
        %dma_start3A_79 = arith.constant 0 : i32
        %dma_start3A_80 = tpu.memref_slice %arg12[%run_scoped3A_69, %dma_start3A_78, %dma_start3A_79] : memref<2x128x64xf32, #tpu.memory_space<vmem>> -> memref<1x128x64xf32, #tpu.memory_space<vmem>>
        %dma_start3A_81 = tpu.memref_squeeze %dma_start3A_80 : memref<1x128x64xf32, #tpu.memory_space<vmem>> -> memref<128x64xf32, #tpu.memory_space<vmem>>
        %dma_start3A_82 = arith.constant 0 : i32
        %dma_start3A_83 = tpu.memref_slice %arg11[%add3A_57, %dma_start3A_82] : memref<158x128xi32, #tpu.memory_space<vmem>> -> memref<1x128xi32, #tpu.memory_space<vmem>>
        %dma_start3A_84 = tpu.memref_squeeze %dma_start3A_83 : memref<1x128xi32, #tpu.memory_space<vmem>> -> memref<128xi32, #tpu.memory_space<vmem>>
        %dma_start3A_85 = arith.constant 0 : i32
        %dma_start3A_86 = arith.constant 0 : i32
        %dma_start3A_87 = tpu.memref_slice %arg13[%dma_start3A_85, %dma_start3A_86] : memref<10112x64xf32, #tpu.memory_space<vmem_shared>> -> memref<10112x64xf32, #tpu.memory_space<vmem_shared>>
        tpu.enqueue_indirect_dma source(%dma_start3A_81 : memref<128x64xf32, #tpu.memory_space<vmem>>) target(%dma_start3A_87 : memref<10112x64xf32, #tpu.memory_space<vmem_shared>>) offsets(%dma_start3A_84 : memref<128xi32, #tpu.memory_space<vmem>>) semaphore(%run_scoped3A_77 : memref<!tpu.dma_semaphore, #tpu.memory_space<semaphore_mem>>) {add = true}
        %dma_wait3A_88 = arith.constant 0 : i32
        %dma_wait3A_89 = arith.constant 0 : i32
        %dma_wait3A_90 = tpu.memref_slice %arg12[%run_scoped3A_69, %dma_wait3A_88, %dma_wait3A_89] : memref<2x128x64xf32, #tpu.memory_space<vmem>> -> memref<1x128x64xf32, #tpu.memory_space<vmem>>
        %dma_wait3A_91 = tpu.memref_squeeze %dma_wait3A_90 : memref<1x128x64xf32, #tpu.memory_space<vmem>> -> memref<128x64xf32, #tpu.memory_space<vmem>>
        %dma_wait3A_92 = arith.constant 0 : i32
        %dma_wait3A_93 = tpu.memref_slice %arg11[%add3A_57, %dma_wait3A_92] : memref<158x128xi32, #tpu.memory_space<vmem>> -> memref<1x128xi32, #tpu.memory_space<vmem>>
        %dma_wait3A_94 = tpu.memref_squeeze %dma_wait3A_93 : memref<1x128xi32, #tpu.memory_space<vmem>> -> memref<128xi32, #tpu.memory_space<vmem>>
        %dma_wait3A_95 = arith.constant 0 : i32
        %dma_wait3A_96 = arith.constant 0 : i32
        %dma_wait3A_97 = tpu.memref_slice %arg13[%dma_wait3A_95, %dma_wait3A_96] : memref<10112x64xf32, #tpu.memory_space<vmem_shared>> -> memref<10112x64xf32, #tpu.memory_space<vmem_shared>>
        tpu.wait_indirect_dma semaphore(%run_scoped3A_77 : memref<!tpu.dma_semaphore, #tpu.memory_space<semaphore_mem>>) src(%dma_wait3A_91 : memref<128x64xf32, #tpu.memory_space<vmem>>) dst(%dma_wait3A_97 : memref<10112x64xf32, #tpu.memory_space<vmem_shared>>)
        tpu.yield
      }) : () -> ()
      "tpu.region"() ({
        %run_scoped3A_77 = tpu.sem_alloc : memref<!tpu.dma_semaphore, #tpu.memory_space<semaphore_mem>>
        %dma_start3A_78 = arith.constant 0 : i32
        %dma_start3A_79 = tpu.memref_slice %arg11[%add3A_57, %dma_start3A_78] : memref<158x128xi32, #tpu.memory_space<vmem>> -> memref<1x128xi32, #tpu.memory_space<vmem>>
        %dma_start3A_80 = tpu.memref_squeeze %dma_start3A_79 : memref<1x128xi32, #tpu.memory_space<vmem>> -> memref<128xi32, #tpu.memory_space<vmem>>
        %dma_start3A_81 = arith.constant 0 : i32
        %dma_start3A_82 = arith.constant 0 : i32
        %dma_start3A_83 = tpu.memref_slice %arg17[%dma_start3A_81, %dma_start3A_82] : memref<10112x16xf32, #tpu.memory_space<vmem_shared>> -> memref<10112x16xf32, #tpu.memory_space<vmem_shared>>
        tpu.enqueue_indirect_dma source(%arg16 : memref<128x16xf32, #tpu.memory_space<vmem>>) target(%dma_start3A_83 : memref<10112x16xf32, #tpu.memory_space<vmem_shared>>) offsets(%dma_start3A_80 : memref<128xi32, #tpu.memory_space<vmem>>) semaphore(%run_scoped3A_77 : memref<!tpu.dma_semaphore, #tpu.memory_space<semaphore_mem>>) {add = true}
        %dma_wait3A_84 = arith.constant 0 : i32
        %dma_wait3A_85 = tpu.memref_slice %arg11[%add3A_57, %dma_wait3A_84] : memref<158x128xi32, #tpu.memory_space<vmem>> -> memref<1x128xi32, #tpu.memory_space<vmem>>
        %dma_wait3A_86 = tpu.memref_squeeze %dma_wait3A_85 : memref<1x128xi32, #tpu.memory_space<vmem>> -> memref<128xi32, #tpu.memory_space<vmem>>
        %dma_wait3A_87 = arith.constant 0 : i32
        %dma_wait3A_88 = arith.constant 0 : i32
        %dma_wait3A_89 = tpu.memref_slice %arg17[%dma_wait3A_87, %dma_wait3A_88] : memref<10112x16xf32, #tpu.memory_space<vmem_shared>> -> memref<10112x16xf32, #tpu.memory_space<vmem_shared>>
        tpu.wait_indirect_dma semaphore(%run_scoped3A_77 : memref<!tpu.dma_semaphore, #tpu.memory_space<semaphore_mem>>) src(%arg16 : memref<128x16xf32, #tpu.memory_space<vmem>>) dst(%dma_wait3A_89 : memref<10112x16xf32, #tpu.memory_space<vmem_shared>>)
        tpu.yield
      }) : () -> ()
      %add3A_70 = arith.constant 2 : i32
      %add3A_71 = arith.addi %add3A_57, %add3A_70 : i32
      %lt3A_72 = arith.constant 158 : i32
      %lt3A_73 = arith.cmpi slt, %add3A_71, %lt3A_72 : i32
      %convert_element_type3A_74 = arith.extui %lt3A_73 : i1 to i32
      %cond3A_75 = arith.constant 0 : i32
      %cond3A_76 = arith.cmpi ne, %convert_element_type3A_74, %cond3A_75 : i32
      scf.if %cond3A_76 {
        %add3A_77 = arith.constant 2 : i32
        %add3A_78 = arith.addi %add3A_57, %add3A_77 : i32
        %dma_start3A_79 = arith.constant 1 : i32
        %dma_start3A_80 = arith.constant 0 : i32
        %dma_start3A_81 = arith.constant 0 : i32
        %dma_start3A_82 = tpu.memref_slice %arg12[%dma_start3A_79, %dma_start3A_80, %dma_start3A_81] : memref<2x128x64xf32, #tpu.memory_space<vmem>> -> memref<1x128x64xf32, #tpu.memory_space<vmem>>
        %dma_start3A_83 = tpu.memref_squeeze %dma_start3A_82 : memref<1x128x64xf32, #tpu.memory_space<vmem>> -> memref<128x64xf32, #tpu.memory_space<vmem>>
        %dma_start3A_84 = arith.constant 0 : i32
        %dma_start3A_85 = tpu.memref_slice %arg10[%add3A_78, %dma_start3A_84] : memref<158x128xi32, #tpu.memory_space<vmem>> -> memref<1x128xi32, #tpu.memory_space<vmem>>
        %dma_start3A_86 = tpu.memref_squeeze %dma_start3A_85 : memref<1x128xi32, #tpu.memory_space<vmem>> -> memref<128xi32, #tpu.memory_space<vmem>>
        %dma_start3A_87 = arith.constant 0 : i32
        %dma_start3A_88 = arith.constant 0 : i32
        %dma_start3A_89 = tpu.memref_slice %arg2[%dma_start3A_87, %dma_start3A_88] : memref<20000x64xf32, #tpu.memory_space<hbm>> -> memref<20000x64xf32, #tpu.memory_space<hbm>>
        tpu.enqueue_indirect_dma source(%dma_start3A_89 : memref<20000x64xf32, #tpu.memory_space<hbm>>) target(%dma_start3A_83 : memref<128x64xf32, #tpu.memory_space<vmem>>) offsets(%dma_start3A_86 : memref<128xi32, #tpu.memory_space<vmem>>) semaphore(%arg15 : memref<!tpu.dma_semaphore, #tpu.memory_space<semaphore_mem>>)
      } else {
      }
    }
    %scan3A_30 = arith.constant 79 : i32
    %barrier3A_31 = arith.constant 0 : index
    tpu.barrier barrier_id(%barrier3A_31)
    %mul3A_32 = arith.constant 10112 : i32
    %mul3A_33 = arith.muli %arg0, %mul3A_32 : i32
    %add3A_34 = arith.addi %mul3A_33, %mul3A_2 : i32
    "tpu.region"() ({
      %run_scoped3A = tpu.sem_alloc : memref<!tpu.dma_semaphore, #tpu.memory_space<semaphore_mem>>
      %dma_start3A_35 = arith.constant 0 : i32
      %dma_start3A_36 = tpu.memref_slice %arg8[%add3A_34, %dma_start3A_35] : memref<20224x64xf32, #tpu.memory_space<hbm>> -> memref<632x64xf32, #tpu.memory_space<hbm>>
      %dma_start3A_37 = arith.constant 0 : i32
      %dma_start3A_38 = tpu.memref_slice %arg13[%mul3A_2, %dma_start3A_37] : memref<10112x64xf32, #tpu.memory_space<vmem_shared>> -> memref<632x64xf32, #tpu.memory_space<vmem_shared>>
      tpu.enqueue_dma source(%dma_start3A_38 : memref<632x64xf32, #tpu.memory_space<vmem_shared>>) target(%dma_start3A_36 : memref<632x64xf32, #tpu.memory_space<hbm>>) target_semaphore(%run_scoped3A : memref<!tpu.dma_semaphore, #tpu.memory_space<semaphore_mem>>)
      %dma_wait3A = arith.constant 0 : i32
      %dma_wait3A_39 = tpu.memref_slice %arg8[%add3A_34, %dma_wait3A] : memref<20224x64xf32, #tpu.memory_space<hbm>> -> memref<632x64xf32, #tpu.memory_space<hbm>>
      %dma_wait3A_40 = arith.constant 0 : i32
      %dma_wait3A_41 = tpu.memref_slice %arg13[%mul3A_2, %dma_wait3A_40] : memref<10112x64xf32, #tpu.memory_space<vmem_shared>> -> memref<632x64xf32, #tpu.memory_space<vmem_shared>>
      tpu.wait_dma2 semaphore(%run_scoped3A : memref<!tpu.dma_semaphore, #tpu.memory_space<semaphore_mem>>) src(%dma_wait3A_41 : memref<632x64xf32, #tpu.memory_space<vmem_shared>>) dst(%dma_wait3A_39 : memref<632x64xf32, #tpu.memory_space<hbm>>)
      tpu.yield
    }) : () -> ()
    "tpu.region"() ({
      %run_scoped3A = tpu.sem_alloc : memref<!tpu.dma_semaphore, #tpu.memory_space<semaphore_mem>>
      %dma_start3A_35 = arith.constant 0 : i32
      %dma_start3A_36 = tpu.memref_slice %arg9[%add3A_34, %dma_start3A_35] : memref<20224x16xf32, #tpu.memory_space<hbm>> -> memref<632x16xf32, #tpu.memory_space<hbm>>
      %dma_start3A_37 = arith.constant 0 : i32
      %dma_start3A_38 = tpu.memref_slice %arg17[%mul3A_2, %dma_start3A_37] : memref<10112x16xf32, #tpu.memory_space<vmem_shared>> -> memref<632x16xf32, #tpu.memory_space<vmem_shared>>
      tpu.enqueue_dma source(%dma_start3A_38 : memref<632x16xf32, #tpu.memory_space<vmem_shared>>) target(%dma_start3A_36 : memref<632x16xf32, #tpu.memory_space<hbm>>) target_semaphore(%run_scoped3A : memref<!tpu.dma_semaphore, #tpu.memory_space<semaphore_mem>>)
      %dma_wait3A = arith.constant 0 : i32
      %dma_wait3A_39 = tpu.memref_slice %arg9[%add3A_34, %dma_wait3A] : memref<20224x16xf32, #tpu.memory_space<hbm>> -> memref<632x16xf32, #tpu.memory_space<hbm>>
      %dma_wait3A_40 = arith.constant 0 : i32
      %dma_wait3A_41 = tpu.memref_slice %arg17[%mul3A_2, %dma_wait3A_40] : memref<10112x16xf32, #tpu.memory_space<vmem_shared>> -> memref<632x16xf32, #tpu.memory_space<vmem_shared>>
      tpu.wait_dma2 semaphore(%run_scoped3A : memref<!tpu.dma_semaphore, #tpu.memory_space<semaphore_mem>>) src(%dma_wait3A_41 : memref<632x16xf32, #tpu.memory_space<vmem_shared>>) dst(%dma_wait3A_39 : memref<632x16xf32, #tpu.memory_space<hbm>>)
      tpu.yield
    }) : () -> ()
    return
  }
}

module attributes {stable_mosaic.version = 14 : i64} {
  func.func @_tc_layer_body(%arg0: i32, %arg1: memref<1000x128xf32, #tpu.memory_space<vmem>>, %arg2: memref<1000x64xf32, #tpu.memory_space<vmem>>, %arg3: memref<1000x64xf32, #tpu.memory_space<vmem>>, %arg4: memref<1000x16xf32, #tpu.memory_space<vmem>>, %arg5: memref<256x128xf32, #tpu.memory_space<vmem>>, %arg6: memref<1x128xf32, #tpu.memory_space<vmem>>, %arg7: memref<1000x128xf32, #tpu.memory_space<vmem>>) attributes {dimension_semantics = [#tpu.dimension_semantics<arbitrary>], iteration_bounds = array<i64: 10>, scalar_prefetch = 0 : i64, scratch_operands = 0 : i64, tpu.core_type = #tpu.core_type<tc>, window_params = [{transform_indices = @transform_0, window_bounds = array<i64: 1000, 128>}, {transform_indices = @transform_1, window_bounds = array<i64: 1000, 64>}, {transform_indices = @transform_2, window_bounds = array<i64: 1000, 64>}, {transform_indices = @transform_3, window_bounds = array<i64: 1000, 16>}, {pipeline_mode = #tpu.pipeline_mode<synchronous>, transform_indices = @transform_4, window_bounds = array<i64: 256, 128>}, {pipeline_mode = #tpu.pipeline_mode<synchronous>, transform_indices = @transform_5, window_bounds = array<i64: 1, 128>}, {transform_indices = @transform_6, window_bounds = array<i64: 1000, 128>}]} {
    %get3A = arith.constant 0 : index
    %get3A_0 = arith.constant 0 : index
    %get3A_1 = vector.load %arg2[%get3A, %get3A_0] : memref<1000x64xf32, #tpu.memory_space<vmem>>, vector<1000x64xf32>
    %get3A_2 = arith.constant 0 : index
    %get3A_3 = arith.constant 0 : index
    %get3A_4 = vector.load %arg3[%get3A_2, %get3A_3] : memref<1000x64xf32, #tpu.memory_space<vmem>>, vector<1000x64xf32>
    %concatenate3A = tpu.concatenate %get3A_1, %get3A_4 in 1 : vector<1000x64xf32>, vector<1000x64xf32> -> vector<1000x128xf32>
    %get3A_5 = arith.constant 0 : index
    %get3A_6 = arith.constant 0 : index
    %get3A_7 = vector.load %arg4[%get3A_5, %get3A_6] : memref<1000x16xf32, #tpu.memory_space<vmem>>, vector<1000x1xf32>
    %max3A = arith.constant 1.000000e+00 : f32
    %max3A_8 = vector.broadcast %max3A : f32 to vector<1000x1xf32>
    %max3A_9 = arith.maximumf %get3A_7, %max3A_8 : vector<1000x1xf32>
    %div3A = vector.broadcast %max3A_9 : vector<1000x1xf32> to vector<1000x128xf32>
    %div3A_10 = arith.divf %concatenate3A, %div3A : vector<1000x128xf32>
    %get3A_11 = arith.constant 0 : index
    %get3A_12 = arith.constant 0 : index
    %get3A_13 = vector.load %arg1[%get3A_11, %get3A_12] : memref<1000x128xf32, #tpu.memory_space<vmem>>, vector<1000x128xf32>
    %get3A_14 = arith.constant 0 : index
    %get3A_15 = arith.constant 0 : index
    %get3A_16 = vector.load %arg5[%get3A_14, %get3A_15] : memref<256x128xf32, #tpu.memory_space<vmem>>, vector<128x128xf32>
    %dot_general3A = arith.constant dense<0.000000e+00> : vector<1000x128xf32>
    %dot_general3A_17 = tpu.matmul %get3A_13, %get3A_16, %dot_general3A {dimension_numbers = #tpu.dot_dimension_numbers<[1], [0], [0], [1], [0, 0, 1, 1], [], []>, transpose_lhs_hint = false} : vector<1000x128xf32>, vector<128x128xf32>, vector<1000x128xf32> -> vector<1000x128xf32>
    %get3A_18 = arith.constant 128 : index
    %get3A_19 = arith.constant 0 : index
    %get3A_20 = vector.load %arg5[%get3A_18, %get3A_19] : memref<256x128xf32, #tpu.memory_space<vmem>>, vector<128x128xf32>
    %dot_general3A_21 = arith.constant dense<0.000000e+00> : vector<1000x128xf32>
    %dot_general3A_22 = tpu.matmul %div3A_10, %get3A_20, %dot_general3A_21 {dimension_numbers = #tpu.dot_dimension_numbers<[1], [0], [0], [1], [0, 0, 1, 1], [], []>, transpose_lhs_hint = false} : vector<1000x128xf32>, vector<128x128xf32>, vector<1000x128xf32> -> vector<1000x128xf32>
    %add3A = arith.addf %dot_general3A_17, %dot_general3A_22 : vector<1000x128xf32>
    %get3A_23 = arith.constant 0 : index
    %get3A_24 = arith.constant 0 : index
    %get3A_25 = vector.load %arg6[%get3A_23, %get3A_24] : memref<1x128xf32, #tpu.memory_space<vmem>>, vector<1x128xf32>
    %add3A_26 = vector.broadcast %get3A_25 : vector<1x128xf32> to vector<1000x128xf32>
    %add3A_27 = arith.addf %add3A, %add3A_26 : vector<1000x128xf32>
    %mul3A = arith.mulf %add3A_27, %add3A_27 : vector<1000x128xf32>
    %reduce_sum3A = arith.constant dense<0.000000e+00> : vector<1000xf32>
    %reduce_sum3A_28 = vector.multi_reduction <add>, %mul3A, %reduce_sum3A [1] : vector<1000x128xf32> to vector<1000xf32>
    %broadcast_in_dim3A = vector.shape_cast %reduce_sum3A_28 : vector<1000xf32> to vector<1000x1xf32>
    %sqrt3A = math.sqrt %broadcast_in_dim3A : vector<1000x1xf32>
    %max3A_29 = arith.constant 9.99999996E-13 : f32
    %max3A_30 = vector.broadcast %max3A_29 : f32 to vector<1000x1xf32>
    %max3A_31 = arith.maximumf %sqrt3A, %max3A_30 : vector<1000x1xf32>
    %div3A_32 = vector.broadcast %max3A_31 : vector<1000x1xf32> to vector<1000x128xf32>
    %div3A_33 = arith.divf %add3A_27, %div3A_32 : vector<1000x128xf32>
    %max3A_34 = arith.constant 0.000000e+00 : f32
    %max3A_35 = vector.broadcast %max3A_34 : f32 to vector<1000x128xf32>
    %max3A_36 = arith.maximumf %div3A_33, %max3A_35 : vector<1000x128xf32>
    %swap3A = arith.constant 0 : index
    %swap3A_37 = arith.constant 0 : index
    %swap3A_38 = vector.load %arg7[%swap3A, %swap3A_37] : memref<1000x128xf32, #tpu.memory_space<vmem>>, vector<1000x128xf32>
    tpu.vector_store %arg7[%swap3A, %swap3A_37], %max3A_36 {strides = array<i32>} : memref<1000x128xf32, #tpu.memory_space<vmem>>, vector<1000x128xf32>,
    return
  }
  func.func @transform_0(%arg0: i32) -> (i32, i32) {
    %c0_i32 = arith.constant 0 : i32
    %c0_i32_0 = arith.constant 0 : i32
    return %arg0, %c0_i32 : i32, i32
  }
  func.func @transform_1(%arg0: i32) -> (i32, i32) {
    %c0_i32 = arith.constant 0 : i32
    %c0_i32_0 = arith.constant 0 : i32
    return %arg0, %c0_i32 : i32, i32
  }
  func.func @transform_2(%arg0: i32) -> (i32, i32) {
    %c0_i32 = arith.constant 0 : i32
    %c0_i32_0 = arith.constant 0 : i32
    return %arg0, %c0_i32 : i32, i32
  }
  func.func @transform_3(%arg0: i32) -> (i32, i32) {
    %c0_i32 = arith.constant 0 : i32
    %c0_i32_0 = arith.constant 0 : i32
    return %arg0, %c0_i32 : i32, i32
  }
  func.func @transform_4(%arg0: i32) -> (i32, i32) {
    %c0_i32 = arith.constant 0 : i32
    %c0_i32_0 = arith.constant 0 : i32
    %c0_i32_1 = arith.constant 0 : i32
    return %c0_i32, %c0_i32_0 : i32, i32
  }
  func.func @transform_5(%arg0: i32) -> (i32, i32) {
    %c0_i32 = arith.constant 0 : i32
    %c0_i32_0 = arith.constant 0 : i32
    %c0_i32_1 = arith.constant 0 : i32
    return %c0_i32, %c0_i32_0 : i32, i32
  }
  func.func @transform_6(%arg0: i32) -> (i32, i32) {
    %c0_i32 = arith.constant 0 : i32
    %c0_i32_0 = arith.constant 0 : i32
    return %arg0, %c0_i32 : i32, i32
  }
}

module attributes {stable_mosaic.version = 14 : i64} {
  func.func @_tc_layer_body(%arg0: i32, %arg1: memref<1000x128xf32, #tpu.memory_space<vmem>>, %arg2: memref<1000x64xf32, #tpu.memory_space<vmem>>, %arg3: memref<1000x64xf32, #tpu.memory_space<vmem>>, %arg4: memref<1000x16xf32, #tpu.memory_space<vmem>>, %arg5: memref<256x128xf32, #tpu.memory_space<vmem>>, %arg6: memref<1x128xf32, #tpu.memory_space<vmem>>, %arg7: memref<1000x128xf32, #tpu.memory_space<vmem>>) attributes {dimension_semantics = [#tpu.dimension_semantics<arbitrary>], iteration_bounds = array<i64: 10>, scalar_prefetch = 0 : i64, scratch_operands = 0 : i64, tpu.core_type = #tpu.core_type<tc>, window_params = [{transform_indices = @transform_0, window_bounds = array<i64: 1000, 128>}, {transform_indices = @transform_1, window_bounds = array<i64: 1000, 64>}, {transform_indices = @transform_2, window_bounds = array<i64: 1000, 64>}, {transform_indices = @transform_3, window_bounds = array<i64: 1000, 16>}, {pipeline_mode = #tpu.pipeline_mode<synchronous>, transform_indices = @transform_4, window_bounds = array<i64: 256, 128>}, {pipeline_mode = #tpu.pipeline_mode<synchronous>, transform_indices = @transform_5, window_bounds = array<i64: 1, 128>}, {transform_indices = @transform_6, window_bounds = array<i64: 1000, 128>}]} {
    %get3A = arith.constant 0 : index
    %get3A_0 = arith.constant 0 : index
    %get3A_1 = vector.load %arg2[%get3A, %get3A_0] : memref<1000x64xf32, #tpu.memory_space<vmem>>, vector<1000x64xf32>
    %get3A_2 = arith.constant 0 : index
    %get3A_3 = arith.constant 0 : index
    %get3A_4 = vector.load %arg3[%get3A_2, %get3A_3] : memref<1000x64xf32, #tpu.memory_space<vmem>>, vector<1000x64xf32>
    %concatenate3A = tpu.concatenate %get3A_1, %get3A_4 in 1 : vector<1000x64xf32>, vector<1000x64xf32> -> vector<1000x128xf32>
    %get3A_5 = arith.constant 0 : index
    %get3A_6 = arith.constant 0 : index
    %get3A_7 = vector.load %arg4[%get3A_5, %get3A_6] : memref<1000x16xf32, #tpu.memory_space<vmem>>, vector<1000x1xf32>
    %max3A = arith.constant 1.000000e+00 : f32
    %max3A_8 = vector.broadcast %max3A : f32 to vector<1000x1xf32>
    %max3A_9 = arith.maximumf %get3A_7, %max3A_8 : vector<1000x1xf32>
    %div3A = vector.broadcast %max3A_9 : vector<1000x1xf32> to vector<1000x128xf32>
    %div3A_10 = arith.divf %concatenate3A, %div3A : vector<1000x128xf32>
    %get3A_11 = arith.constant 0 : index
    %get3A_12 = arith.constant 0 : index
    %get3A_13 = vector.load %arg1[%get3A_11, %get3A_12] : memref<1000x128xf32, #tpu.memory_space<vmem>>, vector<1000x128xf32>
    %get3A_14 = arith.constant 0 : index
    %get3A_15 = arith.constant 0 : index
    %get3A_16 = vector.load %arg5[%get3A_14, %get3A_15] : memref<256x128xf32, #tpu.memory_space<vmem>>, vector<128x128xf32>
    %dot_general3A = arith.constant dense<0.000000e+00> : vector<1000x128xf32>
    %dot_general3A_17 = tpu.matmul %get3A_13, %get3A_16, %dot_general3A {dimension_numbers = #tpu.dot_dimension_numbers<[1], [0], [0], [1], [0, 0, 1, 1], [], []>, transpose_lhs_hint = false} : vector<1000x128xf32>, vector<128x128xf32>, vector<1000x128xf32> -> vector<1000x128xf32>
    %get3A_18 = arith.constant 128 : index
    %get3A_19 = arith.constant 0 : index
    %get3A_20 = vector.load %arg5[%get3A_18, %get3A_19] : memref<256x128xf32, #tpu.memory_space<vmem>>, vector<128x128xf32>
    %dot_general3A_21 = arith.constant dense<0.000000e+00> : vector<1000x128xf32>
    %dot_general3A_22 = tpu.matmul %div3A_10, %get3A_20, %dot_general3A_21 {dimension_numbers = #tpu.dot_dimension_numbers<[1], [0], [0], [1], [0, 0, 1, 1], [], []>, transpose_lhs_hint = false} : vector<1000x128xf32>, vector<128x128xf32>, vector<1000x128xf32> -> vector<1000x128xf32>
    %add3A = arith.addf %dot_general3A_17, %dot_general3A_22 : vector<1000x128xf32>
    %get3A_23 = arith.constant 0 : index
    %get3A_24 = arith.constant 0 : index
    %get3A_25 = vector.load %arg6[%get3A_23, %get3A_24] : memref<1x128xf32, #tpu.memory_space<vmem>>, vector<1x128xf32>
    %add3A_26 = vector.broadcast %get3A_25 : vector<1x128xf32> to vector<1000x128xf32>
    %add3A_27 = arith.addf %add3A, %add3A_26 : vector<1000x128xf32>
    %mul3A = arith.mulf %add3A_27, %add3A_27 : vector<1000x128xf32>
    %reduce_sum3A = arith.constant dense<0.000000e+00> : vector<1000xf32>
    %reduce_sum3A_28 = vector.multi_reduction <add>, %mul3A, %reduce_sum3A [1] : vector<1000x128xf32> to vector<1000xf32>
    %broadcast_in_dim3A = vector.shape_cast %reduce_sum3A_28 : vector<1000xf32> to vector<1000x1xf32>
    %sqrt3A = math.sqrt %broadcast_in_dim3A : vector<1000x1xf32>
    %max3A_29 = arith.constant 9.99999996E-13 : f32
    %max3A_30 = vector.broadcast %max3A_29 : f32 to vector<1000x1xf32>
    %max3A_31 = arith.maximumf %sqrt3A, %max3A_30 : vector<1000x1xf32>
    %div3A_32 = vector.broadcast %max3A_31 : vector<1000x1xf32> to vector<1000x128xf32>
    %div3A_33 = arith.divf %add3A_27, %div3A_32 : vector<1000x128xf32>
    %swap3A = arith.constant 0 : index
    %swap3A_34 = arith.constant 0 : index
    %swap3A_35 = vector.load %arg7[%swap3A, %swap3A_34] : memref<1000x128xf32, #tpu.memory_space<vmem>>, vector<1000x128xf32>
    tpu.vector_store %arg7[%swap3A, %swap3A_34], %div3A_33 {strides = array<i32>} : memref<1000x128xf32, #tpu.memory_space<vmem>>, vector<1000x128xf32>,
    return
  }
  func.func @transform_0(%arg0: i32) -> (i32, i32) {
    %c0_i32 = arith.constant 0 : i32
    %c0_i32_0 = arith.constant 0 : i32
    return %arg0, %c0_i32 : i32, i32
  }
  func.func @transform_1(%arg0: i32) -> (i32, i32) {
    %c0_i32 = arith.constant 0 : i32
    %c0_i32_0 = arith.constant 0 : i32
    return %arg0, %c0_i32 : i32, i32
  }
  func.func @transform_2(%arg0: i32) -> (i32, i32) {
    %c0_i32 = arith.constant 0 : i32
    %c0_i32_0 = arith.constant 0 : i32
    return %arg0, %c0_i32 : i32, i32
  }
  func.func @transform_3(%arg0: i32) -> (i32, i32) {
    %c0_i32 = arith.constant 0 : i32
    %c0_i32_0 = arith.constant 0 : i32
    return %arg0, %c0_i32 : i32, i32
  }
  func.func @transform_4(%arg0: i32) -> (i32, i32) {
    %c0_i32 = arith.constant 0 : i32
    %c0_i32_0 = arith.constant 0 : i32
    %c0_i32_1 = arith.constant 0 : i32
    return %c0_i32, %c0_i32_0 : i32, i32
  }
  func.func @transform_5(%arg0: i32) -> (i32, i32) {
    %c0_i32 = arith.constant 0 : i32
    %c0_i32_0 = arith.constant 0 : i32
    %c0_i32_1 = arith.constant 0 : i32
    return %c0_i32, %c0_i32_0 : i32, i32
  }
  func.func @transform_6(%arg0: i32) -> (i32, i32) {
    %c0_i32 = arith.constant 0 : i32
    %c0_i32_0 = arith.constant 0 : i32
    return %arg0, %c0_i32 : i32, i32
  }
}

</mosaic_0001>

<sc_bundles>
// kernel: kernel.11.cloned.1.call-start
scs
__scs_entry_jumppad:
0x0: {  	(pc) =	sbr.rel $0x88, $3  }
0x1: {  	(tag) =	ssettag $0x0;
	lr =	simm.s32 $0x1  }
0x2: {  	[smem:$0x3F99] =	sst lr;
	_ =	strace $0xD0000000  }
0x3: {  	_ = 	snop  }
0x4: {  	_ = 	snop  }
0x5: {  	_ = 	snop  }
0x6: {  	_ = 	snop  }
0x7: {  	_ = 	snop  }
__scs_overlays_trampoline_lowered:
0x8: {  	[smem:$0x3FA8] =	sst s0  }
0x9: {  	[smem:$0x3FA9] =	sst s1  }
0xa: {  	[smem:$0x3FAA] =	sst s2  }
0xb: {  	[smem:$0x3FAB] =	sst s3  }
0xc: {  	[smem:$0x3FAC] =	sst s4  }
0xd: {  	[smem:$0x3FAD] =	sst s5  }
0xe: {  	[smem:$0x3FAE] =	sst s6  }
0xf: {  	[smem:$0x3FAF] =	sst s7  }
0x10: {  	[smem:$0x3FB0] =	sst s8  }
0x11: {  	[smem:$0x3FB1] =	sst s9;
	s0 =	simm.s32 @!p0 $0x0  }
0x12: {  	s1 =	sld [smem:$0x3F97];
	s0 =	simm.s32 @p0 $0x1  }
0x13: {  	[smem:$0x3FB2] =	sst s0;
	s0 =	simm.s32 @!p1 $0x0  }
0x14: {  	s2 =	sld [smem:$0x3F96];
	s0 =	simm.s32 @p1 $0x1  }
0x15: {  	[smem:$0x3FB3] =	sst s0;
	s0 =	simm.s32 @!p2 $0x0  }
0x16: {  	s3 =	sld [smem:$0x3FDB];
	s0 =	simm.s32 @p2 $0x1  }
0x17: {  	s4 =	simm.s32 $0x1BF5;
	[smem:$0x3FB5] =	sst s0  }
0x18: {  	s0 =	sld [smem:$0x3F98];
	_ =	swait.ge [sflag:s4], $0x0  }
0x19: {  	s7 =	sld [smem:$0x3F99]  }
0x1a: {  	s8 =	sadd.s32 $0xFFFFE003, lr  }
0x1b: {  	s9 =	sadd.s32 $0xFFFFFEF7, lr;
	s5 =	simm.s32 $0xFFFFFFFF;
	p2 =	slt.u32 s8, $0xFFFFF086  }
0x1c: {  	p1 =	slt.u32 s9, $0xF7A;
	s5 =	simm.s32 @!p2 $0x0  }
0x1d: {  	s5 =	simm.s32 @p1 $0x1;
	p0 =	seq.s32 s7, s2  }
0x1e: {  	s7 =	smul.u32 @!p0 $0xF7A, s2;
	p2 =	seq.s32 @!p0 s5, $0x0  }
0x1f: {  	s9 =	smul.u32 $0xF7A, s1;
	s8 =	simm.s32 @!p0 $0x1BF5;
	p2 =	por !p2, p0  }
0x20: {  	[sflag:s8] =	ssyncset.s32 @!p0 $0xFFFFF086;
	s6 =	sadd.s32 @!p0 s3, s7;
	s7 =	simm.s32 @!p0 $0x108  }
0x21: {  	s3 =	sadd.s32 s3, s9;
	s6 =	sadd.s32 @!p0 $0x88, s6;
	s7 =	simm.s32 @p2 $0x1082  }
0x22: {  	[simem:s7], [sflag:s8] =	dma.local @!p0 [hbm:s6], $0xF7A  }
0x23: {  	s9 =	sor.u32 $0xD0000000, s2;
	s6 =	simm.s32 $0x108;
	_ =	swait.ge @!p0 [sflag:s8], $0x0  }
0x24: {  	s3 =	sadd.s32 $0x88, s3;
	s6 =	simm.s32 @!p1 $0x1082;
	[sflag:s4] =	ssyncset.s32 $0xFFFFF086  }
0x25: {  	[simem:s6], [sflag:s4] =	dma.local [hbm:s3], $0xF7A  }
0x26: {  	[smem:$0x3F99] =	sst s1;
	(tag) =	ssettag s2;
	_ =	strace s9  }
0x27: {  	s1 =	sld [smem:$0x3FA9]  }
0x28: {  	s2 =	sld [smem:$0x3FAA]  }
0x29: {  	s4 =	sld [smem:$0x3FAC]  }
0x2a: {  	p0 =	seq.s32 s5, $0x0;
	s5 =	sld [smem:$0x3FAD]  }
0x2b: {  	s6 =	sld [smem:$0x3FAE]  }
0x2c: {  	s7 =	sld [smem:$0x3FAF]  }
0x2d: {  	s3 =	simm.s32 $0x108;
	s8 =	sld [smem:$0x3FB0]  }
0x2e: {  	s3 =	simm.s32 @!p0 $0x1082;
	s9 =	sld [smem:$0x3FB1]  }
0x2f: {  	lr =	sadd.s32 s0, s3;
	s0 =	sld [smem:$0x3FA8]  }
0x30: {  	s3 =	sld [smem:$0x3FAB]  }
0x31: {  	[smem:$0x3FB4] =	sst s10  }
0x32: {  	s10 =	sld [smem:$0x3FB2];
	_ =	sdelay $0x3  }
0x33: {  	p0 =	seq.s32 s10, $0x1;
	s10 =	sld [smem:$0x3FB4];
	_ =	sdelay $0x3  }
0x34: {  	[smem:$0x3FB4] =	sst s10  }
0x35: {  	s10 =	sld [smem:$0x3FB3];
	_ =	sdelay $0x3  }
0x36: {  	p1 =	seq.s32 s10, $0x1;
	s10 =	sld [smem:$0x3FB4];
	_ =	sdelay $0x3  }
0x37: {  	[smem:$0x3FB4] =	sst s10  }
0x38: {  	s10 =	sld [smem:$0x3FB5]  }
0x39: {  	_ = 	snop;
	(pc) =	sbr.ind lr, $3  }
0x3a: {  	_ = 	snop  }
0x3b: {  	_ = 	snop  }
0x3c: {  	p2 =	seq.s32 s10, $0x1;
	s10 =	sld [smem:$0x3FB4]  }
0x3d: {  	_ =	shalt  }
0x3e: {  	_ =	shalt  }
0x3f: {  	_ =	shalt  }
0x40: {  	_ =	shalt  }
0x41: {  	_ =	shalt  }
0x42: {  	_ =	shalt  }
0x43: {  	_ =	shalt  }
0x44: {  	_ =	shalt  }
0x45: {  	_ =	shalt  }
0x46: {  	_ =	shalt  }
0x47: {  	_ =	shalt  }
0x48: {  	_ =	shalt  }
0x49: {  	_ =	shalt  }
0x4a: {  	_ =	shalt  }
0x4b: {  	_ =	shalt  }
0x4c: {  	_ =	shalt  }
0x4d: {  	_ =	shalt  }
0x4e: {  	_ =	shalt  }
0x4f: {  	_ =	shalt  }
0x50: {  	_ =	shalt  }
0x51: {  	_ =	shalt  }
0x52: {  	_ =	shalt  }
0x53: {  	_ =	shalt  }
0x54: {  	_ =	shalt  }
0x55: {  	_ =	shalt  }
0x56: {  	_ =	shalt  }
0x57: {  	_ =	shalt  }
0x58: {  	_ =	shalt  }
0x59: {  	_ =	shalt  }
0x5a: {  	_ =	shalt  }
0x5b: {  	_ =	shalt  }
0x5c: {  	_ =	shalt  }
0x5d: {  	_ =	shalt  }
0x5e: {  	_ =	shalt  }
0x5f: {  	_ =	shalt  }
0x60: {  	_ =	shalt  }
0x61: {  	_ =	shalt  }
0x62: {  	_ =	shalt  }
0x63: {  	_ =	shalt  }
0x64: {  	_ =	shalt  }
0x65: {  	_ =	shalt  }
0x66: {  	_ =	shalt  }
0x67: {  	_ =	shalt  }
0x68: {  	_ =	shalt  }
0x69: {  	_ =	shalt  }
0x6a: {  	_ =	shalt  }
0x6b: {  	_ =	shalt  }
0x6c: {  	_ =	shalt  }
0x6d: {  	_ =	shalt  }
0x6e: {  	_ =	shalt  }
0x6f: {  	_ =	shalt  }
0x70: {  	_ =	shalt  }
0x71: {  	_ =	shalt  }
0x72: {  	_ =	shalt  }
0x73: {  	_ =	shalt  }
0x74: {  	_ =	shalt  }
0x75: {  	_ =	shalt  }
0x76: {  	_ =	shalt  }
0x77: {  	_ =	shalt  }
0x78: {  	_ =	shalt  }
0x79: {  	_ =	shalt  }
0x7a: {  	_ =	shalt  }
0x7b: {  	_ =	shalt  }
0x7c: {  	_ =	shalt  }
0x7d: {  	_ =	shalt  }
0x7e: {  	_ =	shalt  }
0x7f: {  	_ =	shalt  }
0x80: {  	_ =	shalt  }
0x81: {  	_ =	shalt  }
0x82: {  	_ =	shalt  }
0x83: {  	_ =	shalt  }
0x84: {  	_ =	shalt  }
0x85: {  	_ =	shalt  }
0x86: {  	_ =	shalt  }
0x87: {  	_ =	shalt  }
.Lfunc_end0:
.L_simem_size_0:
called_computation.1_lowered:
.L_overlay_start_0:
0x88: {  	s2 =	sld [smem:$0x3FD9]  }
0x89: {  	s3 =	sld [smem:$0x3FFE];
	_ =	sdelay $0x1  }
0x8a: {  	s1 =	srdreg.scid  }
0x8b: {  	s0 =	sand.u32 $0x1, s1  }
0x8c: {  	s16 =	sshll.u32 s0, $0xA;
	s2 =	sadd.s32 s3, s2  }
0x8d: {  	s2 =	sadd.s32 s2, s16  }
0x8e: {  	[smem:$0x3FC0] =	sst s2  }
0x8f: {  	_ = 	snop  }
0x90: {  	(tm) =	ssettm $0x1  }
0x91: {  	s17 =	sld [smem:$0x3FFB];
	_ =	sdelay $0x3  }
0x92: {  	_ =	strace s17  }
0x93: {  	s2 =	sld [smem:$0x3FFC];
	_ =	sdelay $0x3  }
0x94: {  	_ =	strace s2  }
0x95: {  	s2 =	sld [smem:$0x3FFD];
	_ =	sdelay $0x3  }
0x96: {  	_ =	strace s2  }
0x97: {  	_ =	strace $0x8FFFFFFF  }
0x98: {  	s18 =	sld [smem:$0x3FDB];
	_ =	sdelay $0x1  }
0x99: {  	s19 =	simm.s32 $_scs_section_size  }
0x9a: {  	s4 =	simm.s32 $_size__tile_overlayer_lowered;
	s5 =	simm.s32 $_tile_overlayer_lowered  }
0x9b: {  	s22 =	simm.s32 $0x1BFF;
	s21 =	sshll.u32 s5, $0x1;
	s2 =	sadd.s32 s19, s18  }
0x9c: {  	s6 =	simm.s32 $0x0;
	s20 =	sshll.u32 s4, $0x1;
	s4 =	sadd.s32 s21, s2  }
0x9d: {  	[timem:s6], [sflag:s22] =	dma.local [hbm:s4], s20  }
0x9e: {  	_ =	swait.ge [sflag:s22], s20  }
0x9f: {  	s3 =	ssub.s32 $0x0, s20;
	[sflag:s22] =	ssyncset.done $0x0  }
0xa0: {  	[sflag:s22] =	ssyncadd.s32 s3;
	_ =	sdelay $0x1  }
0xa1: {  	s23 =	simm.s32 $0x1B8B  }
0xa2: {  	_ =	swait.ge [sflag:s23], $0x1  }
0xa3: {  	[sflag:s23] =	ssyncset.done $0x0  }
0xa4: {  	s25 =	simm.s32 $0x1B8E;
	s24 =	sld [smem:$0x3FFE];
	[sflag:s23] =	ssyncadd.s32 $0xFFFFFFFF  }
0xa5: {  	s26 =	simm.s32 $execute0_lowered;
	[smem:$0x3FD2] =	sst s25  }
0xa6: {  	s4 =	sshll.u32 s26, $0x1;
	_ =	strace $0x80000049;
	[dreg:$0x1] =	wrdreg $0xFFFFFFFF  }
0xa7: {  	s28 =	simm.s32 $_size_execute0_lowered;
	s2 =	sadd.s32 s2, s4;
	[dreg:$0x0] =	wrdreg $0x0  }
0xa8: {  	s4 =	sshll.u32 s28, $0x1;
	[dreg:$0x2] =	wrdreg s2  }
0xa9: {  	[dreg:$0x3] =	wrdreg s4  }
0xaa: {  	[dreg:$0x4] =	wrdreg $0xC0  }
0xab: {  	_ =	task [dreg:s6], $0x5FFFF  }
0xac: {  	[dreg:$0x1] =	wrdreg $0xFFFFFFFF  }
0xad: {  	[dreg:$0x0] =	wrdreg $0x60  }
0xae: {  	[dreg:$0x2] =	wrdreg s24  }
0xaf: {  	[dreg:$0x3] =	wrdreg $0xDE000  }
0xb0: {  	[dreg:$0x4] =	wrdreg $0x9  }
0xb1: {  	_ =	task.clear_ibuf [dreg:s6], $0x5FFFF;
	_ =	strace $0x90000049  }
0xb2: {  	s29 =	simm.s32 $0x9;
	_ =	strace $0x8000004B  }
0xb3: {  	_ =	swait.ge [sflag:s29], $0x1  }
0xb4: {  	[sflag:s29] =	ssyncadd.s32 $0xFFFFFFFF  }
0xb5: {  	_ =	strace $0x9000004B  }
0xb6: {  	_ =	sfence  }
0xb7: {  	s30 =	sld [smem:$0x0];
	_ =	sdelay $0x2  }
0xb8: {  	s31 =	sshll.u32 s1, $0xD;
	s1 =	sshrl.u32 s1, $0x2  }
0xb9: {  	s3 =	sand.u32 $0x4000, s31;
	s1 =	sadd.s32 s1, s30  }
0xba: {  	s0 =	sor.u32 s3, s0;
	s1 =	sshll.u32 s1, $0x11  }
0xbb: {  	s0 =	sor.u32 s1, s0  }
0xbc: {  	s0 =	sadd.s32 $0x8F2B, s0  }
0xbd: {  	[sflag:s0] =	ssyncadd.remote.s32 $0x1  }
0xbe: {  	_ =	sfence.sel $0xFFFF  }
0xbf: {  	[dreg:$0x0] =	wrdreg $0xFFFFFFFF;
	(pc) =	sbr.abs _section_cstart, $3  }
0xc0: {  	[dreg:$0x1] =	wrdreg $0xFFFFFFFF  }
0xc1: {  	_ =	task.clear_ibuf [dreg:s6], $0x2FFFF;
	_ =	strace $0x9FFFFFFF  }
0xc2: {  	(tm) =	ssettm $0x7FFFFFFF  }
0xc3: {  	_ =	shalt  }
tec
execute0_lowered:
.L_overlay_start_1:
0x0: {  	(tag) =	ssettag $0x1  }
0x1: {  	s6 =	rddreg [dreg:$0x0]  }
0x2: {  	s0 =	srdreg.scid;
	s2 =	rddreg [dreg:$0x1];
	s3 =	simm.s32 $0x0  }
0x3: {  	s12 =	simm.s32 $0x9E00;
	s13 =	simm.s32 $0xBE00;
	s16 =	simm.s32 $0x4F00  }
0x4: {  	s17 =	simm.s32 $0x1;
	s18 =	simm.s32 $0x2;
	s19 =	simm.s32 $0x9D00  }
0x5: {  	s20 =	simm.s32 $0x9D80;
	s5 =	sand.u32 $0x1, s0;
	s0 =	stileid.u32  }
0x6: {  	s21 =	simm.s32 $0x0;
	[smem:$0x7FF] =	sst s3;
	s8 =	smul.u32 $0x9E00, s0  }
0x7: {  	s4 =	sadd.s32 $0x43200, s6;
	s1 =	sshll.u32 s5, $0x4;
	s9 =	smul.u32 $0x13C0, s0  }
0x8: {  	s10 =	smul.u32 $0x13C00, s5;
	s5 =	ssub.s32 $0x2, s5;
	s14 =	sshll.u32 s0, $0x6  }
0x9: {  	s1 =	sor.u32 s0, s1;
	s31 =	sshrl.u32 s5, $0x1;
	s14 =	sor.u32 $0x1C03, s14  }
0xa: {  	s7 =	smul.u32 $0x9E0, s1;
	s1 =	rddreg [dreg:$0x2];
	_ =	strace $0x8000004A  }
0xb: {  	s11 =	sshrl.u32 s8, $0x3;
	s9 =	sadd.s32 s9, s10;
	s10 =	ssub.s32 s5, s31  }
0xc: {  	s15 =	sadd.s32 s8, s2;
	s11 =	sadd.s32 s11, s6;
	s9 =	sadd.s32 s9, s6  }
0xd: {  	s15 =	sshrl.u32 s15, $0x3;
	s7 =	sadd.s32 s7, s6;
	s6 =	sadd.s32 $0x2F600, s11  }
0xe: {  	s8 =	sadd.s32 $0x6A400, s9;
	s9 =	smax.u32 s10, $0x1;
	s10 =	simm.s32 $0x3  }
0xf: {  	s11 =	simm.s32 $0x80;
	s5 =	sadd.s32 $0x2C00, s7;
	s7 =	sadd.s32 $0x16800, s7  }
.LBB2_1:
0x10: {  	[tilespmem:s3], [sflag:$0x3] =	stream.linear.gather [hbm4b:s5+s3], $0x4F00, $0x38;
	[tilespmem:$0x17C00] =	vst v63  }
0x11: {  	_ =	swait.ge [sflag:s10], $0x4F00  }
0x12: {  	[sflag:s10] =	ssyncset.done $0x0  }
0x13: {  	[sflag:s10] =	ssyncadd.s32 $0xFFFFB100  }
0x14: {  	[tilespmem:s12], [sflag:$0x1] =	stream.indirect.gather [hbm4b:s4+s11], $0x40, s3, s11, $0xb8;
	[tilespmem:$0x17C00] =	vst v63  }
0x15: {  	_ = 	snop  }
0x16: {  	[tilespmem:s13], [sflag:$0x2] =	stream.indirect.gather [hbm4b:s4+s11], $0x40, s11, s11, $0xb8;
	[tilespmem:$0x17C00] =	vst v63  }
0x17: {  	[spmem:s15], [sflag:s14] =	dma.local [hbm:s6], $0x13C0  }
0x18: {  	_ =	swait.ge [sflag:s10], $0x13C0  }
0x19: {  	[sflag:s10] =	ssyncset.done $0x0  }
0x1a: {  	[sflag:s10] =	ssyncadd.s32 $0xFFFFEC40  }
0x1b: {  	[tilespmem:s16], [sflag:$0x3] =	stream.linear.gather [hbm4b:s7+s3], $0x4F00, $0x38;
	[tilespmem:$0x17C00] =	vst v63  }
0x1c: {  	_ =	swait.ge [sflag:s10], $0x4F00  }
0x1d: {  	[sflag:s10] =	ssyncset.done $0x0  }
0x1e: {  	[sflag:s10] =	ssyncadd.s32 $0xFFFFB100  }
0x1f: {  	[bflag:$0x0] =	sbarrier.arrive $0xFFFF  }
0x20: {  	_ =	swait.ge [sflag:s17], $0x2000  }
0x21: {  	[sflag:s17] =	ssyncset.done $0x0  }
0x22: {  	s22 =	simm.s32 $0x4F00;
	[sflag:s17] =	ssyncadd.s32 $0xFFFFE000  }
0x23: {  	[spmem:s2] =	stream.indirect.scatter.add.f32 [tilespmem:s12], [sflag:$0x3], $0x40, s22, s11, $0xb8;
	[tilespmem:$0x17C00] =	vst v63  }
0x24: {  	_ =	swait.ge [sflag:s10], $0x2000  }
0x25: {  	[sflag:s10] =	ssyncset.done $0x0  }
0x26: {  	s30 =	simm.s32 $0x100;
	[sflag:s10] =	ssyncadd.s32 $0xFFFFE000  }
0x27: {  	[tilespmem:s12], [sflag:$0x1] =	stream.indirect.gather [hbm4b:s4+s11], $0x40, s30, s11, $0xb8;
	[tilespmem:$0x17C00] =	vst v63  }
0x28: {  	_ =	swait.ge [sflag:s18], $0x2000  }
0x29: {  	[sflag:s18] =	ssyncset.done $0x0  }
0x2a: {  	s31 =	simm.s32 $0x4F80;
	[sflag:s18] =	ssyncadd.s32 $0xFFFFE000  }
0x2b: {  	[spmem:s2] =	stream.indirect.scatter.add.f32 [tilespmem:s13], [sflag:$0x3], $0x40, s31, s11, $0xb8;
	[tilespmem:$0x17C00] =	vst v63  }
0x2c: {  	_ =	swait.ge [sflag:s10], $0x2000  }
0x2d: {  	[sflag:s10] =	ssyncset.done $0x0  }
0x2e: {  	s23 =	simm.s32 $0x180;
	s22 =	simm.s32 $0x400;
	[sflag:s10] =	ssyncadd.s32 $0xFFFFE000  }
.LBB2_2:
0x2f: {  	[tilespmem:s13], [sflag:$0x2] =	stream.indirect.gather [hbm4b:s4+s11], $0x40, s23, s11, $0xb8;
	[tilespmem:$0x17C00] =	vst v63  }
0x30: {  	s23 =	smov.u32 s22  }
0x31: {  	p0 =	sne.s32 s22, $0x13400;
	s22 =	sadd.s32 $0x400, s22;
	_ =	swait.ge [sflag:s17], $0x2000  }
0x32: {  	s23 =	sshra.s32 s23, $0x2;
	[sflag:s17] =	ssyncset.done $0x0  }
0x33: {  	s24 =	sadd.s32 $0x4F00, s23;
	[sflag:s17] =	ssyncadd.s32 $0xFFFFE000  }
0x34: {  	[spmem:s2] =	stream.indirect.scatter.add.f32 [tilespmem:s12], [sflag:$0x3], $0x40, s24, s11, $0xb8;
	[tilespmem:$0x17C00] =	vst v63  }
0x35: {  	_ =	swait.ge [sflag:s10], $0x2000  }
0x36: {  	[sflag:s10] =	ssyncset.done $0x0  }
0x37: {  	s24 =	sadd.s32 $0x100, s23;
	[sflag:s10] =	ssyncadd.s32 $0xFFFFE000  }
0x38: {  	[tilespmem:s12], [sflag:$0x1] =	stream.indirect.gather [hbm4b:s4+s11], $0x40, s24, s11, $0xb8;
	[tilespmem:$0x17C00] =	vst v63  }
0x39: {  	_ =	swait.ge [sflag:s18], $0x2000  }
0x3a: {  	[sflag:s18] =	ssyncset.done $0x0  }
.Ltmp0:
0x3b: {  	s24 =	sadd.s32 $0x4F80, s23;
	[sflag:s18] =	ssyncadd.s32 $0xFFFFE000;
	(pc) =	sbr.rel @p0 .LBB2_2-.Ltmp0, $4  }
0x3c: {  	[spmem:s2] =	stream.indirect.scatter.add.f32 [tilespmem:s13], [sflag:$0x3], $0x40, s24, s11, $0xb8;
	[tilespmem:$0x17C00] =	vst v63  }
0x3d: {  	_ =	swait.ge [sflag:s10], $0x2000  }
0x3e: {  	[sflag:s10] =	ssyncset.done $0x0  }
0x3f: {  	s23 =	sadd.s32 $0x180, s23;
	[sflag:s10] =	ssyncadd.s32 $0xFFFFE000  }
0x40: {  	[tilespmem:s13], [sflag:$0x2] =	stream.indirect.gather [hbm4b:s4+s11], $0x40, s23, s11, $0xb8;
	[tilespmem:$0x17C00] =	vst v63  }
0x41: {  	_ =	swait.ge [sflag:s17], $0x2000  }
0x42: {  	[sflag:s17] =	ssyncset.done $0x0  }
0x43: {  	[sflag:s17] =	ssyncadd.s32 $0xFFFFE000  }
0x44: {  	[spmem:s2] =	stream.indirect.scatter.add.f32 [tilespmem:s12], [sflag:$0x3], $0x40, s19, s11, $0xb8;
	[tilespmem:$0x17C00] =	vst v63  }
0x45: {  	_ =	swait.ge [sflag:s10], $0x2000  }
0x46: {  	[sflag:s10] =	ssyncset.done $0x0  }
0x47: {  	[sflag:s10] =	ssyncadd.s32 $0xFFFFE000  }
0x48: {  	_ =	swait.ge [sflag:s18], $0x2000  }
0x49: {  	[sflag:s18] =	ssyncset.done $0x0  }
0x4a: {  	[sflag:s18] =	ssyncadd.s32 $0xFFFFE000  }
0x4b: {  	[spmem:s2] =	stream.indirect.scatter.add.f32 [tilespmem:s13], [sflag:$0x3], $0x40, s20, s11, $0xb8;
	[tilespmem:$0x17C00] =	vst v63  }
0x4c: {  	_ =	swait.ge [sflag:s10], $0x2000  }
0x4d: {  	s21 =	sadd.s32 $0x1, s21;
	[sflag:s10] =	ssyncset.done $0x0  }
0x4e: {  	p0 =	sne.s32 s21, s9;
	[sflag:s10] =	ssyncadd.s32 $0xFFFFE000  }
.Ltmp1:
0x4f: {  	[bflag:$0x0] =	sbarrier.arrive $0xFFFF;
	(pc) =	sbr.rel @p0 .LBB2_1-.Ltmp1, $4  }
0x50: {  	[hbm:s8], [sflag:s14] =	dma.local [spmem:s15], $0x13C0  }
0x51: {  	_ =	swait.ge [sflag:s10], $0x13C0  }
0x52: {  	[sflag:s10] =	ssyncset.done $0x0  }
0x53: {  	[sflag:s10] =	ssyncadd.s32 $0xFFFFEC40  }
0x54: {  	_ =	sfence.sel $0x180000  }
0x55: {  	[bflag:$0x0] =	sbarrier.arrive $0xFFFF  }
0x56: {  	p0 =	sne.s32 s0, $0x0;
	_ =	strace $0x9000004A  }
0x57: {  	s0 =	sadd.s32 @!p0 $0x100000, s1;
	[bflag:$0x2] =	sbarrier.arrive $0xFFFF  }
0x58: {  	[sflag:s0] =	ssyncadd.tile.s32 @!p0 $0x1;
	_ =	shalt  }
.Lfunc_end2:
_tile_overlayer_lowered:
.L_overlay_start_2:
0x59: {  	(tag) =	ssettag $0x2  }
0x5a: {  	s0 =	rddreg [dreg:$0x0];
	s2 =	stileid.u32  }
0x5b: {  	s1 =	rddreg [dreg:$0x1];
	p0 =	sne.s32 s2, $0x0  }
0x5c: {  	s3 =	rddreg [dreg:$0x2];
	[bflag:$0x3] =	sbarrier.arrive $0xFFFF;
	s2 =	simm.s32 @!p0 $0x1C03  }
0x5d: {  	[timem:s3], [sflag:s2] =	dma.local @!p0 [hbm:s0], s1  }
0x5e: {  	s0 =	simm.s32 @!p0 $0x3  }
0x5f: {  	_ =	swait.ge @!p0 [sflag:s0], s1  }
0x60: {  	s1 =	ssub.s32 @!p0 $0x0, s1;
	[sflag:s0] =	ssyncset.done @!p0 $0x0  }
0x61: {  	[sflag:s0] =	ssyncadd.s32 @!p0 s1  }
0x62: {  	[bflag:$0x3] =	sbarrier.arrive $0xFFFF  }
0x63: {  	_ =	shalt  }

// kernel: kernel.14.cloned.1.call-start
scs
__scs_entry_jumppad:
0x0: {  	(pc) =	sbr.rel $0x88, $3  }
0x1: {  	(tag) =	ssettag $0x0;
	lr =	simm.s32 $0x1  }
0x2: {  	[smem:$0x3F99] =	sst lr;
	_ =	strace $0xD0000000  }
0x3: {  	_ = 	snop  }
0x4: {  	_ = 	snop  }
0x5: {  	_ = 	snop  }
0x6: {  	_ = 	snop  }
0x7: {  	_ = 	snop  }
__scs_overlays_trampoline_lowered:
0x8: {  	[smem:$0x3FA8] =	sst s0  }
0x9: {  	[smem:$0x3FA9] =	sst s1  }
0xa: {  	[smem:$0x3FAA] =	sst s2  }
0xb: {  	[smem:$0x3FAB] =	sst s3  }
0xc: {  	[smem:$0x3FAC] =	sst s4  }
0xd: {  	[smem:$0x3FAD] =	sst s5  }
0xe: {  	[smem:$0x3FAE] =	sst s6  }
0xf: {  	[smem:$0x3FAF] =	sst s7  }
0x10: {  	[smem:$0x3FB0] =	sst s8  }
0x11: {  	[smem:$0x3FB1] =	sst s9;
	s0 =	simm.s32 @!p0 $0x0  }
0x12: {  	s1 =	sld [smem:$0x3F97];
	s0 =	simm.s32 @p0 $0x1  }
0x13: {  	[smem:$0x3FB2] =	sst s0;
	s0 =	simm.s32 @!p1 $0x0  }
0x14: {  	s2 =	sld [smem:$0x3F96];
	s0 =	simm.s32 @p1 $0x1  }
0x15: {  	[smem:$0x3FB3] =	sst s0;
	s0 =	simm.s32 @!p2 $0x0  }
0x16: {  	s3 =	sld [smem:$0x3FDB];
	s0 =	simm.s32 @p2 $0x1  }
0x17: {  	s4 =	simm.s32 $0x1BF5;
	[smem:$0x3FB5] =	sst s0  }
0x18: {  	s0 =	sld [smem:$0x3F98];
	_ =	swait.ge [sflag:s4], $0x0  }
0x19: {  	s7 =	sld [smem:$0x3F99]  }
0x1a: {  	s8 =	sadd.s32 $0xFFFFE003, lr  }
0x1b: {  	s9 =	sadd.s32 $0xFFFFFEF7, lr;
	s5 =	simm.s32 $0xFFFFFFFF;
	p2 =	slt.u32 s8, $0xFFFFF086  }
0x1c: {  	p1 =	slt.u32 s9, $0xF7A;
	s5 =	simm.s32 @!p2 $0x0  }
0x1d: {  	s5 =	simm.s32 @p1 $0x1;
	p0 =	seq.s32 s7, s2  }
0x1e: {  	s7 =	smul.u32 @!p0 $0xF7A, s2;
	p2 =	seq.s32 @!p0 s5, $0x0  }
0x1f: {  	s9 =	smul.u32 $0xF7A, s1;
	s8 =	simm.s32 @!p0 $0x1BF5;
	p2 =	por !p2, p0  }
0x20: {  	[sflag:s8] =	ssyncset.s32 @!p0 $0xFFFFF086;
	s6 =	sadd.s32 @!p0 s3, s7;
	s7 =	simm.s32 @!p0 $0x108  }
0x21: {  	s3 =	sadd.s32 s3, s9;
	s6 =	sadd.s32 @!p0 $0x88, s6;
	s7 =	simm.s32 @p2 $0x1082  }
0x22: {  	[simem:s7], [sflag:s8] =	dma.local @!p0 [hbm:s6], $0xF7A  }
0x23: {  	s9 =	sor.u32 $0xD0000000, s2;
	s6 =	simm.s32 $0x108;
	_ =	swait.ge @!p0 [sflag:s8], $0x0  }
0x24: {  	s3 =	sadd.s32 $0x88, s3;
	s6 =	simm.s32 @!p1 $0x1082;
	[sflag:s4] =	ssyncset.s32 $0xFFFFF086  }
0x25: {  	[simem:s6], [sflag:s4] =	dma.local [hbm:s3], $0xF7A  }
0x26: {  	[smem:$0x3F99] =	sst s1;
	(tag) =	ssettag s2;
	_ =	strace s9  }
0x27: {  	s1 =	sld [smem:$0x3FA9]  }
0x28: {  	s2 =	sld [smem:$0x3FAA]  }
0x29: {  	s4 =	sld [smem:$0x3FAC]  }
0x2a: {  	p0 =	seq.s32 s5, $0x0;
	s5 =	sld [smem:$0x3FAD]  }
0x2b: {  	s6 =	sld [smem:$0x3FAE]  }
0x2c: {  	s7 =	sld [smem:$0x3FAF]  }
0x2d: {  	s3 =	simm.s32 $0x108;
	s8 =	sld [smem:$0x3FB0]  }
0x2e: {  	s3 =	simm.s32 @!p0 $0x1082;
	s9 =	sld [smem:$0x3FB1]  }
0x2f: {  	lr =	sadd.s32 s0, s3;
	s0 =	sld [smem:$0x3FA8]  }
0x30: {  	s3 =	sld [smem:$0x3FAB]  }
0x31: {  	[smem:$0x3FB4] =	sst s10  }
0x32: {  	s10 =	sld [smem:$0x3FB2];
	_ =	sdelay $0x3  }
0x33: {  	p0 =	seq.s32 s10, $0x1;
	s10 =	sld [smem:$0x3FB4];
	_ =	sdelay $0x3  }
0x34: {  	[smem:$0x3FB4] =	sst s10  }
0x35: {  	s10 =	sld [smem:$0x3FB3];
	_ =	sdelay $0x3  }
0x36: {  	p1 =	seq.s32 s10, $0x1;
	s10 =	sld [smem:$0x3FB4];
	_ =	sdelay $0x3  }
0x37: {  	[smem:$0x3FB4] =	sst s10  }
0x38: {  	s10 =	sld [smem:$0x3FB5]  }
0x39: {  	_ = 	snop;
	(pc) =	sbr.ind lr, $3  }
0x3a: {  	_ = 	snop  }
0x3b: {  	_ = 	snop  }
0x3c: {  	p2 =	seq.s32 s10, $0x1;
	s10 =	sld [smem:$0x3FB4]  }
0x3d: {  	_ =	shalt  }
0x3e: {  	_ =	shalt  }
0x3f: {  	_ =	shalt  }
0x40: {  	_ =	shalt  }
0x41: {  	_ =	shalt  }
0x42: {  	_ =	shalt  }
0x43: {  	_ =	shalt  }
0x44: {  	_ =	shalt  }
0x45: {  	_ =	shalt  }
0x46: {  	_ =	shalt  }
0x47: {  	_ =	shalt  }
0x48: {  	_ =	shalt  }
0x49: {  	_ =	shalt  }
0x4a: {  	_ =	shalt  }
0x4b: {  	_ =	shalt  }
0x4c: {  	_ =	shalt  }
0x4d: {  	_ =	shalt  }
0x4e: {  	_ =	shalt  }
0x4f: {  	_ =	shalt  }
0x50: {  	_ =	shalt  }
0x51: {  	_ =	shalt  }
0x52: {  	_ =	shalt  }
0x53: {  	_ =	shalt  }
0x54: {  	_ =	shalt  }
0x55: {  	_ =	shalt  }
0x56: {  	_ =	shalt  }
0x57: {  	_ =	shalt  }
0x58: {  	_ =	shalt  }
0x59: {  	_ =	shalt  }
0x5a: {  	_ =	shalt  }
0x5b: {  	_ =	shalt  }
0x5c: {  	_ =	shalt  }
0x5d: {  	_ =	shalt  }
0x5e: {  	_ =	shalt  }
0x5f: {  	_ =	shalt  }
0x60: {  	_ =	shalt  }
0x61: {  	_ =	shalt  }
0x62: {  	_ =	shalt  }
0x63: {  	_ =	shalt  }
0x64: {  	_ =	shalt  }
0x65: {  	_ =	shalt  }
0x66: {  	_ =	shalt  }
0x67: {  	_ =	shalt  }
0x68: {  	_ =	shalt  }
0x69: {  	_ =	shalt  }
0x6a: {  	_ =	shalt  }
0x6b: {  	_ =	shalt  }
0x6c: {  	_ =	shalt  }
0x6d: {  	_ =	shalt  }
0x6e: {  	_ =	shalt  }
0x6f: {  	_ =	shalt  }
0x70: {  	_ =	shalt  }
0x71: {  	_ =	shalt  }
0x72: {  	_ =	shalt  }
0x73: {  	_ =	shalt  }
0x74: {  	_ =	shalt  }
0x75: {  	_ =	shalt  }
0x76: {  	_ =	shalt  }
0x77: {  	_ =	shalt  }
0x78: {  	_ =	shalt  }
0x79: {  	_ =	shalt  }
0x7a: {  	_ =	shalt  }
0x7b: {  	_ =	shalt  }
0x7c: {  	_ =	shalt  }
0x7d: {  	_ =	shalt  }
0x7e: {  	_ =	shalt  }
0x7f: {  	_ =	shalt  }
0x80: {  	_ =	shalt  }
0x81: {  	_ =	shalt  }
0x82: {  	_ =	shalt  }
0x83: {  	_ =	shalt  }
0x84: {  	_ =	shalt  }
0x85: {  	_ =	shalt  }
0x86: {  	_ =	shalt  }
0x87: {  	_ =	shalt  }
.Lfunc_end0:
.L_simem_size_0:
called_computation.2_lowered:
.L_overlay_start_0:
0x88: {  	s2 =	sld [smem:$0x3FD9]  }
0x89: {  	s3 =	sld [smem:$0x3FFE];
	_ =	sdelay $0x1  }
0x8a: {  	s1 =	srdreg.scid  }
0x8b: {  	s0 =	sand.u32 $0x1, s1  }
0x8c: {  	s16 =	sshll.u32 s0, $0xA;
	s2 =	sadd.s32 s3, s2  }
0x8d: {  	s2 =	sadd.s32 s2, s16  }
0x8e: {  	[smem:$0x3FC0] =	sst s2  }
0x8f: {  	_ = 	snop  }
0x90: {  	(tm) =	ssettm $0x1  }
0x91: {  	s17 =	sld [smem:$0x3FFB];
	_ =	sdelay $0x3  }
0x92: {  	_ =	strace s17  }
0x93: {  	s2 =	sld [smem:$0x3FFC];
	_ =	sdelay $0x3  }
0x94: {  	_ =	strace s2  }
0x95: {  	s2 =	sld [smem:$0x3FFD];
	_ =	sdelay $0x3  }
0x96: {  	_ =	strace s2  }
0x97: {  	_ =	strace $0x8FFFFFFF  }
0x98: {  	s18 =	sld [smem:$0x3FDB];
	_ =	sdelay $0x1  }
0x99: {  	s19 =	simm.s32 $_scs_section_size  }
0x9a: {  	s4 =	simm.s32 $_size__tile_overlayer_lowered;
	s5 =	simm.s32 $_tile_overlayer_lowered  }
0x9b: {  	s22 =	simm.s32 $0x1BFF;
	s21 =	sshll.u32 s5, $0x1;
	s2 =	sadd.s32 s19, s18  }
0x9c: {  	s6 =	simm.s32 $0x0;
	s20 =	sshll.u32 s4, $0x1;
	s4 =	sadd.s32 s21, s2  }
0x9d: {  	[timem:s6], [sflag:s22] =	dma.local [hbm:s4], s20  }
0x9e: {  	_ =	swait.ge [sflag:s22], s20  }
0x9f: {  	s3 =	ssub.s32 $0x0, s20;
	[sflag:s22] =	ssyncset.done $0x0  }
0xa0: {  	[sflag:s22] =	ssyncadd.s32 s3;
	_ =	sdelay $0x1  }
0xa1: {  	s23 =	simm.s32 $0x1B8B  }
0xa2: {  	_ =	swait.ge [sflag:s23], $0x1  }
0xa3: {  	[sflag:s23] =	ssyncset.done $0x0  }
0xa4: {  	s25 =	simm.s32 $0x1B8E;
	s24 =	sld [smem:$0x3FFE];
	[sflag:s23] =	ssyncadd.s32 $0xFFFFFFFF  }
0xa5: {  	s26 =	simm.s32 $execute0_lowered;
	[smem:$0x3FD2] =	sst s25  }
0xa6: {  	s4 =	sshll.u32 s26, $0x1;
	_ =	strace $0x8000004C;
	[dreg:$0x1] =	wrdreg $0xFFFFFFFF  }
0xa7: {  	s28 =	simm.s32 $_size_execute0_lowered;
	s2 =	sadd.s32 s2, s4;
	[dreg:$0x0] =	wrdreg $0x0  }
0xa8: {  	s4 =	sshll.u32 s28, $0x1;
	[dreg:$0x2] =	wrdreg s2  }
0xa9: {  	[dreg:$0x3] =	wrdreg s4  }
0xaa: {  	[dreg:$0x4] =	wrdreg $0xC0  }
0xab: {  	_ =	task [dreg:s6], $0x5FFFF  }
0xac: {  	[dreg:$0x1] =	wrdreg $0xFFFFFFFF  }
0xad: {  	[dreg:$0x0] =	wrdreg $0x60  }
0xae: {  	[dreg:$0x2] =	wrdreg s24  }
0xaf: {  	[dreg:$0x3] =	wrdreg $0xDE000  }
0xb0: {  	[dreg:$0x4] =	wrdreg $0x9  }
0xb1: {  	_ =	task.clear_ibuf [dreg:s6], $0x5FFFF;
	_ =	strace $0x9000004C  }
0xb2: {  	s29 =	simm.s32 $0x9;
	_ =	strace $0x8000004E  }
0xb3: {  	_ =	swait.ge [sflag:s29], $0x1  }
0xb4: {  	[sflag:s29] =	ssyncadd.s32 $0xFFFFFFFF  }
0xb5: {  	_ =	strace $0x9000004E  }
0xb6: {  	_ =	sfence  }
0xb7: {  	s30 =	sld [smem:$0x0];
	_ =	sdelay $0x2  }
0xb8: {  	s31 =	sshll.u32 s1, $0xD;
	s1 =	sshrl.u32 s1, $0x2  }
0xb9: {  	s3 =	sand.u32 $0x4000, s31;
	s1 =	sadd.s32 s1, s30  }
0xba: {  	s0 =	sor.u32 s3, s0;
	s1 =	sshll.u32 s1, $0x11  }
0xbb: {  	s0 =	sor.u32 s1, s0  }
0xbc: {  	s0 =	sadd.s32 $0x8F2B, s0  }
0xbd: {  	[sflag:s0] =	ssyncadd.remote.s32 $0x1  }
0xbe: {  	_ =	sfence.sel $0xFFFF  }
0xbf: {  	[dreg:$0x0] =	wrdreg $0xFFFFFFFF;
	(pc) =	sbr.abs _section_cstart, $3  }
0xc0: {  	[dreg:$0x1] =	wrdreg $0xFFFFFFFF  }
0xc1: {  	_ =	task.clear_ibuf [dreg:s6], $0x2FFFF;
	_ =	strace $0x9FFFFFFF  }
0xc2: {  	(tm) =	ssettm $0x7FFFFFFF  }
0xc3: {  	_ =	shalt  }
tec
execute0_lowered:
.L_overlay_start_1:
0x0: {  	(tag) =	ssettag $0x1  }
0x1: {  	s6 =	rddreg [dreg:$0x0]  }
0x2: {  	s0 =	srdreg.scid;
	s2 =	rddreg [dreg:$0x1];
	s3 =	simm.s32 $0x0  }
0x3: {  	s12 =	simm.s32 $0x9E00;
	s13 =	simm.s32 $0xBE00;
	s16 =	simm.s32 $0x4F00  }
0x4: {  	s17 =	simm.s32 $0x1;
	s18 =	simm.s32 $0x2;
	s19 =	simm.s32 $0x9D00  }
0x5: {  	s20 =	simm.s32 $0x9D80;
	s5 =	sand.u32 $0x1, s0;
	s0 =	stileid.u32  }
0x6: {  	s21 =	simm.s32 $0x0;
	[smem:$0x7FF] =	sst s3;
	s8 =	smul.u32 $0x9E00, s0  }
0x7: {  	s4 =	sadd.s32 $0x43200, s6;
	s1 =	sshll.u32 s5, $0x4;
	s9 =	smul.u32 $0x13C0, s0  }
0x8: {  	s10 =	smul.u32 $0x13C00, s5;
	s5 =	ssub.s32 $0x2, s5;
	s14 =	sshll.u32 s0, $0x6  }
0x9: {  	s1 =	sor.u32 s0, s1;
	s31 =	sshrl.u32 s5, $0x1;
	s14 =	sor.u32 $0x1C03, s14  }
0xa: {  	s7 =	smul.u32 $0x9E0, s1;
	s1 =	rddreg [dreg:$0x2];
	_ =	strace $0x8000004D  }
0xb: {  	s11 =	sshrl.u32 s8, $0x3;
	s9 =	sadd.s32 s9, s10;
	s10 =	ssub.s32 s5, s31  }
0xc: {  	s15 =	sadd.s32 s8, s2;
	s11 =	sadd.s32 s11, s6;
	s9 =	sadd.s32 s9, s6  }
0xd: {  	s15 =	sshrl.u32 s15, $0x3;
	s7 =	sadd.s32 s7, s6;
	s6 =	sadd.s32 $0x2F600, s11  }
0xe: {  	s8 =	sadd.s32 $0x6A400, s9;
	s9 =	smax.u32 s10, $0x1;
	s10 =	simm.s32 $0x3  }
0xf: {  	s11 =	simm.s32 $0x80;
	s5 =	sadd.s32 $0x2C00, s7;
	s7 =	sadd.s32 $0x16800, s7  }
.LBB2_1:
0x10: {  	[tilespmem:s3], [sflag:$0x3] =	stream.linear.gather [hbm4b:s5+s3], $0x4F00, $0x38;
	[tilespmem:$0x17C00] =	vst v63  }
0x11: {  	_ =	swait.ge [sflag:s10], $0x4F00  }
0x12: {  	[sflag:s10] =	ssyncset.done $0x0  }
0x13: {  	[sflag:s10] =	ssyncadd.s32 $0xFFFFB100  }
0x14: {  	[tilespmem:s12], [sflag:$0x1] =	stream.indirect.gather [hbm4b:s4+s11], $0x40, s3, s11, $0xb8;
	[tilespmem:$0x17C00] =	vst v63  }
0x15: {  	_ = 	snop  }
0x16: {  	[tilespmem:s13], [sflag:$0x2] =	stream.indirect.gather [hbm4b:s4+s11], $0x40, s11, s11, $0xb8;
	[tilespmem:$0x17C00] =	vst v63  }
0x17: {  	[spmem:s15], [sflag:s14] =	dma.local [hbm:s6], $0x13C0  }
0x18: {  	_ =	swait.ge [sflag:s10], $0x13C0  }
0x19: {  	[sflag:s10] =	ssyncset.done $0x0  }
0x1a: {  	[sflag:s10] =	ssyncadd.s32 $0xFFFFEC40  }
0x1b: {  	[tilespmem:s16], [sflag:$0x3] =	stream.linear.gather [hbm4b:s7+s3], $0x4F00, $0x38;
	[tilespmem:$0x17C00] =	vst v63  }
0x1c: {  	_ =	swait.ge [sflag:s10], $0x4F00  }
0x1d: {  	[sflag:s10] =	ssyncset.done $0x0  }
0x1e: {  	[sflag:s10] =	ssyncadd.s32 $0xFFFFB100  }
0x1f: {  	[bflag:$0x0] =	sbarrier.arrive $0xFFFF  }
0x20: {  	_ =	swait.ge [sflag:s17], $0x2000  }
0x21: {  	[sflag:s17] =	ssyncset.done $0x0  }
0x22: {  	s22 =	simm.s32 $0x4F00;
	[sflag:s17] =	ssyncadd.s32 $0xFFFFE000  }
0x23: {  	[spmem:s2] =	stream.indirect.scatter.add.f32 [tilespmem:s12], [sflag:$0x3], $0x40, s22, s11, $0xb8;
	[tilespmem:$0x17C00] =	vst v63  }
0x24: {  	_ =	swait.ge [sflag:s10], $0x2000  }
0x25: {  	[sflag:s10] =	ssyncset.done $0x0  }
0x26: {  	s30 =	simm.s32 $0x100;
	[sflag:s10] =	ssyncadd.s32 $0xFFFFE000  }
0x27: {  	[tilespmem:s12], [sflag:$0x1] =	stream.indirect.gather [hbm4b:s4+s11], $0x40, s30, s11, $0xb8;
	[tilespmem:$0x17C00] =	vst v63  }
0x28: {  	_ =	swait.ge [sflag:s18], $0x2000  }
0x29: {  	[sflag:s18] =	ssyncset.done $0x0  }
0x2a: {  	s31 =	simm.s32 $0x4F80;
	[sflag:s18] =	ssyncadd.s32 $0xFFFFE000  }
0x2b: {  	[spmem:s2] =	stream.indirect.scatter.add.f32 [tilespmem:s13], [sflag:$0x3], $0x40, s31, s11, $0xb8;
	[tilespmem:$0x17C00] =	vst v63  }
0x2c: {  	_ =	swait.ge [sflag:s10], $0x2000  }
0x2d: {  	[sflag:s10] =	ssyncset.done $0x0  }
0x2e: {  	s23 =	simm.s32 $0x180;
	s22 =	simm.s32 $0x400;
	[sflag:s10] =	ssyncadd.s32 $0xFFFFE000  }
.LBB2_2:
0x2f: {  	[tilespmem:s13], [sflag:$0x2] =	stream.indirect.gather [hbm4b:s4+s11], $0x40, s23, s11, $0xb8;
	[tilespmem:$0x17C00] =	vst v63  }
0x30: {  	s23 =	smov.u32 s22  }
0x31: {  	p0 =	sne.s32 s22, $0x13400;
	s22 =	sadd.s32 $0x400, s22;
	_ =	swait.ge [sflag:s17], $0x2000  }
0x32: {  	s23 =	sshra.s32 s23, $0x2;
	[sflag:s17] =	ssyncset.done $0x0  }
0x33: {  	s24 =	sadd.s32 $0x4F00, s23;
	[sflag:s17] =	ssyncadd.s32 $0xFFFFE000  }
0x34: {  	[spmem:s2] =	stream.indirect.scatter.add.f32 [tilespmem:s12], [sflag:$0x3], $0x40, s24, s11, $0xb8;
	[tilespmem:$0x17C00] =	vst v63  }
0x35: {  	_ =	swait.ge [sflag:s10], $0x2000  }
0x36: {  	[sflag:s10] =	ssyncset.done $0x0  }
0x37: {  	s24 =	sadd.s32 $0x100, s23;
	[sflag:s10] =	ssyncadd.s32 $0xFFFFE000  }
0x38: {  	[tilespmem:s12], [sflag:$0x1] =	stream.indirect.gather [hbm4b:s4+s11], $0x40, s24, s11, $0xb8;
	[tilespmem:$0x17C00] =	vst v63  }
0x39: {  	_ =	swait.ge [sflag:s18], $0x2000  }
0x3a: {  	[sflag:s18] =	ssyncset.done $0x0  }
.Ltmp0:
0x3b: {  	s24 =	sadd.s32 $0x4F80, s23;
	[sflag:s18] =	ssyncadd.s32 $0xFFFFE000;
	(pc) =	sbr.rel @p0 .LBB2_2-.Ltmp0, $4  }
0x3c: {  	[spmem:s2] =	stream.indirect.scatter.add.f32 [tilespmem:s13], [sflag:$0x3], $0x40, s24, s11, $0xb8;
	[tilespmem:$0x17C00] =	vst v63  }
0x3d: {  	_ =	swait.ge [sflag:s10], $0x2000  }
0x3e: {  	[sflag:s10] =	ssyncset.done $0x0  }
0x3f: {  	s23 =	sadd.s32 $0x180, s23;
	[sflag:s10] =	ssyncadd.s32 $0xFFFFE000  }
0x40: {  	[tilespmem:s13], [sflag:$0x2] =	stream.indirect.gather [hbm4b:s4+s11], $0x40, s23, s11, $0xb8;
	[tilespmem:$0x17C00] =	vst v63  }
0x41: {  	_ =	swait.ge [sflag:s17], $0x2000  }
0x42: {  	[sflag:s17] =	ssyncset.done $0x0  }
0x43: {  	[sflag:s17] =	ssyncadd.s32 $0xFFFFE000  }
0x44: {  	[spmem:s2] =	stream.indirect.scatter.add.f32 [tilespmem:s12], [sflag:$0x3], $0x40, s19, s11, $0xb8;
	[tilespmem:$0x17C00] =	vst v63  }
0x45: {  	_ =	swait.ge [sflag:s10], $0x2000  }
0x46: {  	[sflag:s10] =	ssyncset.done $0x0  }
0x47: {  	[sflag:s10] =	ssyncadd.s32 $0xFFFFE000  }
0x48: {  	_ =	swait.ge [sflag:s18], $0x2000  }
0x49: {  	[sflag:s18] =	ssyncset.done $0x0  }
0x4a: {  	[sflag:s18] =	ssyncadd.s32 $0xFFFFE000  }
0x4b: {  	[spmem:s2] =	stream.indirect.scatter.add.f32 [tilespmem:s13], [sflag:$0x3], $0x40, s20, s11, $0xb8;
	[tilespmem:$0x17C00] =	vst v63  }
0x4c: {  	_ =	swait.ge [sflag:s10], $0x2000  }
0x4d: {  	s21 =	sadd.s32 $0x1, s21;
	[sflag:s10] =	ssyncset.done $0x0  }
0x4e: {  	p0 =	sne.s32 s21, s9;
	[sflag:s10] =	ssyncadd.s32 $0xFFFFE000  }
.Ltmp1:
0x4f: {  	[bflag:$0x0] =	sbarrier.arrive $0xFFFF;
	(pc) =	sbr.rel @p0 .LBB2_1-.Ltmp1, $4  }
0x50: {  	[hbm:s8], [sflag:s14] =	dma.local [spmem:s15], $0x13C0  }
0x51: {  	_ =	swait.ge [sflag:s10], $0x13C0  }
0x52: {  	[sflag:s10] =	ssyncset.done $0x0  }
0x53: {  	[sflag:s10] =	ssyncadd.s32 $0xFFFFEC40  }
0x54: {  	_ =	sfence.sel $0x180000  }
0x55: {  	[bflag:$0x0] =	sbarrier.arrive $0xFFFF  }
0x56: {  	p0 =	sne.s32 s0, $0x0;
	_ =	strace $0x9000004D  }
0x57: {  	s0 =	sadd.s32 @!p0 $0x100000, s1;
	[bflag:$0x2] =	sbarrier.arrive $0xFFFF  }
0x58: {  	[sflag:s0] =	ssyncadd.tile.s32 @!p0 $0x1;
	_ =	shalt  }
.Lfunc_end2:
_tile_overlayer_lowered:
.L_overlay_start_2:
0x59: {  	(tag) =	ssettag $0x2  }
0x5a: {  	s0 =	rddreg [dreg:$0x0];
	s2 =	stileid.u32  }
0x5b: {  	s1 =	rddreg [dreg:$0x1];
	p0 =	sne.s32 s2, $0x0  }
0x5c: {  	s3 =	rddreg [dreg:$0x2];
	[bflag:$0x3] =	sbarrier.arrive $0xFFFF;
	s2 =	simm.s32 @!p0 $0x1C03  }
0x5d: {  	[timem:s3], [sflag:s2] =	dma.local @!p0 [hbm:s0], s1  }
0x5e: {  	s0 =	simm.s32 @!p0 $0x3  }
0x5f: {  	_ =	swait.ge @!p0 [sflag:s0], s1  }
0x60: {  	s1 =	ssub.s32 @!p0 $0x0, s1;
	[sflag:s0] =	ssyncset.done @!p0 $0x0  }
0x61: {  	[sflag:s0] =	ssyncadd.s32 @!p0 s1  }
0x62: {  	[bflag:$0x3] =	sbarrier.arrive $0xFFFF  }
0x63: {  	_ =	shalt  }

// kernel: kernel.8.cloned.1.call-start
scs
__scs_entry_jumppad:
0x0: {  	(pc) =	sbr.rel $0x88, $3  }
0x1: {  	(tag) =	ssettag $0x0;
	lr =	simm.s32 $0x1  }
0x2: {  	[smem:$0x3F99] =	sst lr;
	_ =	strace $0xD0000000  }
0x3: {  	_ = 	snop  }
0x4: {  	_ = 	snop  }
0x5: {  	_ = 	snop  }
0x6: {  	_ = 	snop  }
0x7: {  	_ = 	snop  }
__scs_overlays_trampoline_lowered:
0x8: {  	[smem:$0x3FA8] =	sst s0  }
0x9: {  	[smem:$0x3FA9] =	sst s1  }
0xa: {  	[smem:$0x3FAA] =	sst s2  }
0xb: {  	[smem:$0x3FAB] =	sst s3  }
0xc: {  	[smem:$0x3FAC] =	sst s4  }
0xd: {  	[smem:$0x3FAD] =	sst s5  }
0xe: {  	[smem:$0x3FAE] =	sst s6  }
0xf: {  	[smem:$0x3FAF] =	sst s7  }
0x10: {  	[smem:$0x3FB0] =	sst s8  }
0x11: {  	[smem:$0x3FB1] =	sst s9;
	s0 =	simm.s32 @!p0 $0x0  }
0x12: {  	s1 =	sld [smem:$0x3F97];
	s0 =	simm.s32 @p0 $0x1  }
0x13: {  	[smem:$0x3FB2] =	sst s0;
	s0 =	simm.s32 @!p1 $0x0  }
0x14: {  	s2 =	sld [smem:$0x3F96];
	s0 =	simm.s32 @p1 $0x1  }
0x15: {  	[smem:$0x3FB3] =	sst s0;
	s0 =	simm.s32 @!p2 $0x0  }
0x16: {  	s3 =	sld [smem:$0x3FDB];
	s0 =	simm.s32 @p2 $0x1  }
0x17: {  	s4 =	simm.s32 $0x1BF5;
	[smem:$0x3FB5] =	sst s0  }
0x18: {  	s0 =	sld [smem:$0x3F98];
	_ =	swait.ge [sflag:s4], $0x0  }
0x19: {  	s7 =	sld [smem:$0x3F99]  }
0x1a: {  	s8 =	sadd.s32 $0xFFFFE003, lr  }
0x1b: {  	s9 =	sadd.s32 $0xFFFFFEF7, lr;
	s5 =	simm.s32 $0xFFFFFFFF;
	p2 =	slt.u32 s8, $0xFFFFF086  }
0x1c: {  	p1 =	slt.u32 s9, $0xF7A;
	s5 =	simm.s32 @!p2 $0x0  }
0x1d: {  	s5 =	simm.s32 @p1 $0x1;
	p0 =	seq.s32 s7, s2  }
0x1e: {  	s7 =	smul.u32 @!p0 $0xF7A, s2;
	p2 =	seq.s32 @!p0 s5, $0x0  }
0x1f: {  	s9 =	smul.u32 $0xF7A, s1;
	s8 =	simm.s32 @!p0 $0x1BF5;
	p2 =	por !p2, p0  }
0x20: {  	[sflag:s8] =	ssyncset.s32 @!p0 $0xFFFFF086;
	s6 =	sadd.s32 @!p0 s3, s7;
	s7 =	simm.s32 @!p0 $0x108  }
0x21: {  	s3 =	sadd.s32 s3, s9;
	s6 =	sadd.s32 @!p0 $0x88, s6;
	s7 =	simm.s32 @p2 $0x1082  }
0x22: {  	[simem:s7], [sflag:s8] =	dma.local @!p0 [hbm:s6], $0xF7A  }
0x23: {  	s9 =	sor.u32 $0xD0000000, s2;
	s6 =	simm.s32 $0x108;
	_ =	swait.ge @!p0 [sflag:s8], $0x0  }
0x24: {  	s3 =	sadd.s32 $0x88, s3;
	s6 =	simm.s32 @!p1 $0x1082;
	[sflag:s4] =	ssyncset.s32 $0xFFFFF086  }
0x25: {  	[simem:s6], [sflag:s4] =	dma.local [hbm:s3], $0xF7A  }
0x26: {  	[smem:$0x3F99] =	sst s1;
	(tag) =	ssettag s2;
	_ =	strace s9  }
0x27: {  	s1 =	sld [smem:$0x3FA9]  }
0x28: {  	s2 =	sld [smem:$0x3FAA]  }
0x29: {  	s4 =	sld [smem:$0x3FAC]  }
0x2a: {  	p0 =	seq.s32 s5, $0x0;
	s5 =	sld [smem:$0x3FAD]  }
0x2b: {  	s6 =	sld [smem:$0x3FAE]  }
0x2c: {  	s7 =	sld [smem:$0x3FAF]  }
0x2d: {  	s3 =	simm.s32 $0x108;
	s8 =	sld [smem:$0x3FB0]  }
0x2e: {  	s3 =	simm.s32 @!p0 $0x1082;
	s9 =	sld [smem:$0x3FB1]  }
0x2f: {  	lr =	sadd.s32 s0, s3;
	s0 =	sld [smem:$0x3FA8]  }
0x30: {  	s3 =	sld [smem:$0x3FAB]  }
0x31: {  	[smem:$0x3FB4] =	sst s10  }
0x32: {  	s10 =	sld [smem:$0x3FB2];
	_ =	sdelay $0x3  }
0x33: {  	p0 =	seq.s32 s10, $0x1;
	s10 =	sld [smem:$0x3FB4];
	_ =	sdelay $0x3  }
0x34: {  	[smem:$0x3FB4] =	sst s10  }
0x35: {  	s10 =	sld [smem:$0x3FB3];
	_ =	sdelay $0x3  }
0x36: {  	p1 =	seq.s32 s10, $0x1;
	s10 =	sld [smem:$0x3FB4];
	_ =	sdelay $0x3  }
0x37: {  	[smem:$0x3FB4] =	sst s10  }
0x38: {  	s10 =	sld [smem:$0x3FB5]  }
0x39: {  	_ = 	snop;
	(pc) =	sbr.ind lr, $3  }
0x3a: {  	_ = 	snop  }
0x3b: {  	_ = 	snop  }
0x3c: {  	p2 =	seq.s32 s10, $0x1;
	s10 =	sld [smem:$0x3FB4]  }
0x3d: {  	_ =	shalt  }
0x3e: {  	_ =	shalt  }
0x3f: {  	_ =	shalt  }
0x40: {  	_ =	shalt  }
0x41: {  	_ =	shalt  }
0x42: {  	_ =	shalt  }
0x43: {  	_ =	shalt  }
0x44: {  	_ =	shalt  }
0x45: {  	_ =	shalt  }
0x46: {  	_ =	shalt  }
0x47: {  	_ =	shalt  }
0x48: {  	_ =	shalt  }
0x49: {  	_ =	shalt  }
0x4a: {  	_ =	shalt  }
0x4b: {  	_ =	shalt  }
0x4c: {  	_ =	shalt  }
0x4d: {  	_ =	shalt  }
0x4e: {  	_ =	shalt  }
0x4f: {  	_ =	shalt  }
0x50: {  	_ =	shalt  }
0x51: {  	_ =	shalt  }
0x52: {  	_ =	shalt  }
0x53: {  	_ =	shalt  }
0x54: {  	_ =	shalt  }
0x55: {  	_ =	shalt  }
0x56: {  	_ =	shalt  }
0x57: {  	_ =	shalt  }
0x58: {  	_ =	shalt  }
0x59: {  	_ =	shalt  }
0x5a: {  	_ =	shalt  }
0x5b: {  	_ =	shalt  }
0x5c: {  	_ =	shalt  }
0x5d: {  	_ =	shalt  }
0x5e: {  	_ =	shalt  }
0x5f: {  	_ =	shalt  }
0x60: {  	_ =	shalt  }
0x61: {  	_ =	shalt  }
0x62: {  	_ =	shalt  }
0x63: {  	_ =	shalt  }
0x64: {  	_ =	shalt  }
0x65: {  	_ =	shalt  }
0x66: {  	_ =	shalt  }
0x67: {  	_ =	shalt  }
0x68: {  	_ =	shalt  }
0x69: {  	_ =	shalt  }
0x6a: {  	_ =	shalt  }
0x6b: {  	_ =	shalt  }
0x6c: {  	_ =	shalt  }
0x6d: {  	_ =	shalt  }
0x6e: {  	_ =	shalt  }
0x6f: {  	_ =	shalt  }
0x70: {  	_ =	shalt  }
0x71: {  	_ =	shalt  }
0x72: {  	_ =	shalt  }
0x73: {  	_ =	shalt  }
0x74: {  	_ =	shalt  }
0x75: {  	_ =	shalt  }
0x76: {  	_ =	shalt  }
0x77: {  	_ =	shalt  }
0x78: {  	_ =	shalt  }
0x79: {  	_ =	shalt  }
0x7a: {  	_ =	shalt  }
0x7b: {  	_ =	shalt  }
0x7c: {  	_ =	shalt  }
0x7d: {  	_ =	shalt  }
0x7e: {  	_ =	shalt  }
0x7f: {  	_ =	shalt  }
0x80: {  	_ =	shalt  }
0x81: {  	_ =	shalt  }
0x82: {  	_ =	shalt  }
0x83: {  	_ =	shalt  }
0x84: {  	_ =	shalt  }
0x85: {  	_ =	shalt  }
0x86: {  	_ =	shalt  }
0x87: {  	_ =	shalt  }
.Lfunc_end0:
.L_simem_size_0:
called_computation_lowered:
.L_overlay_start_0:
0x88: {  	s2 =	sld [smem:$0x3FD9]  }
0x89: {  	s3 =	sld [smem:$0x3FFE];
	_ =	sdelay $0x1  }
0x8a: {  	s1 =	srdreg.scid  }
0x8b: {  	s0 =	sand.u32 $0x1, s1  }
0x8c: {  	s17 =	sshll.u32 s0, $0xA;
	s2 =	sadd.s32 s3, s2  }
0x8d: {  	s2 =	sadd.s32 s2, s17  }
0x8e: {  	[smem:$0x3FC0] =	sst s2  }
0x8f: {  	_ = 	snop  }
0x90: {  	s2 =	sld [smem:$0x3FD0];
	(tm) =	ssettm $0x1  }
0x91: {  	s18 =	sld [smem:$0x3FFB];
	_ =	sdelay $0x3  }
0x92: {  	_ =	strace s18  }
0x93: {  	s3 =	sld [smem:$0x3FFC];
	_ =	sdelay $0x3  }
0x94: {  	_ =	strace s3  }
0x95: {  	s3 =	sld [smem:$0x3FFD];
	_ =	sdelay $0x3  }
0x96: {  	_ =	strace s3  }
0x97: {  	_ =	strace $0x8FFFFFFF  }
0x98: {  	s19 =	sld [smem:$0x3FDB];
	_ =	sdelay $0x1  }
0x99: {  	s4 =	simm.s32 $_scs_section_size  }
0x9a: {  	s5 =	simm.s32 $_size__tile_overlayer_lowered;
	s6 =	simm.s32 $_tile_overlayer_lowered  }
0x9b: {  	s22 =	simm.s32 $0x1BFF;
	s21 =	sshll.u32 s6, $0x1;
	s3 =	sadd.s32 s4, s19  }
0x9c: {  	s7 =	simm.s32 $0x0;
	s20 =	sshll.u32 s5, $0x1;
	s5 =	sadd.s32 s21, s3  }
0x9d: {  	[timem:s7], [sflag:s22] =	dma.local [hbm:s5], s20  }
0x9e: {  	_ =	swait.ge [sflag:s22], s20  }
0x9f: {  	s4 =	ssub.s32 $0x0, s20;
	[sflag:s22] =	ssyncset.done $0x0  }
0xa0: {  	[sflag:s22] =	ssyncadd.s32 s4;
	_ =	sdelay $0x1  }
0xa1: {  	s23 =	simm.s32 $0x1B8B  }
0xa2: {  	_ =	swait.ge [sflag:s23], $0x1  }
0xa3: {  	[sflag:s23] =	ssyncset.done $0x0  }
0xa4: {  	s25 =	simm.s32 $0x1B8E;
	s24 =	sld [smem:$0x3FFE];
	[sflag:s23] =	ssyncadd.s32 $0xFFFFFFFF  }
0xa5: {  	s26 =	simm.s32 $execute0_lowered;
	[smem:$0x3FD2] =	sst s25  }
0xa6: {  	s5 =	sshll.u32 s26, $0x1;
	_ =	strace $0x80000046;
	[dreg:$0x1] =	wrdreg $0xFFFFFFFF  }
0xa7: {  	s28 =	simm.s32 $_size_execute0_lowered;
	s3 =	sadd.s32 s3, s5;
	[dreg:$0x0] =	wrdreg $0x0  }
0xa8: {  	s5 =	sshll.u32 s28, $0x1;
	[dreg:$0x2] =	wrdreg s3  }
0xa9: {  	[dreg:$0x3] =	wrdreg s5  }
0xaa: {  	[dreg:$0x4] =	wrdreg $0xC0  }
0xab: {  	_ =	task [dreg:s7], $0x5FFFF  }
0xac: {  	[dreg:$0x1] =	wrdreg $0xFFFFFFFF  }
0xad: {  	[dreg:$0x0] =	wrdreg $0x60  }
0xae: {  	[dreg:$0x2] =	wrdreg s2  }
0xaf: {  	[dreg:$0x3] =	wrdreg s24  }
0xb0: {  	[dreg:$0x4] =	wrdreg $0xDE000  }
0xb1: {  	[dreg:$0x5] =	wrdreg $0x184000  }
0xb2: {  	[dreg:$0x6] =	wrdreg $0x9  }
0xb3: {  	_ =	task.clear_ibuf [dreg:s7], $0x7FFFF;
	_ =	strace $0x90000046  }
0xb4: {  	s29 =	simm.s32 $0x9;
	_ =	strace $0x80000048  }
0xb5: {  	_ =	swait.ge [sflag:s29], $0x1  }
0xb6: {  	[sflag:s29] =	ssyncadd.s32 $0xFFFFFFFF  }
0xb7: {  	_ =	strace $0x90000048  }
0xb8: {  	_ =	sfence  }
0xb9: {  	s30 =	sld [smem:$0x0];
	_ =	sdelay $0x2  }
0xba: {  	s31 =	sshll.u32 s1, $0xD;
	s1 =	sshrl.u32 s1, $0x2  }
0xbb: {  	s3 =	sand.u32 $0x4000, s31;
	s1 =	sadd.s32 s1, s30  }
0xbc: {  	s0 =	sor.u32 s3, s0;
	s1 =	sshll.u32 s1, $0x11  }
0xbd: {  	s0 =	sor.u32 s1, s0  }
0xbe: {  	s0 =	sadd.s32 $0x8F2B, s0  }
0xbf: {  	[sflag:s0] =	ssyncadd.remote.s32 $0x1  }
0xc0: {  	_ =	sfence.sel $0xFFFF  }
0xc1: {  	[dreg:$0x0] =	wrdreg $0xFFFFFFFF;
	(pc) =	sbr.abs _section_cstart, $3  }
0xc2: {  	[dreg:$0x1] =	wrdreg $0xFFFFFFFF  }
0xc3: {  	_ =	task.clear_ibuf [dreg:s7], $0x2FFFF;
	_ =	strace $0x9FFFFFFF  }
0xc4: {  	(tm) =	ssettm $0x7FFFFFFF  }
0xc5: {  	_ =	shalt  }
tec
execute0_lowered:
.L_overlay_start_1:
0x0: {  	(tag) =	ssettag $0x1  }
0x1: {  	s1 =	rddreg [dreg:$0x0]  }
0x2: {  	s8 =	rddreg [dreg:$0x1]  }
0x3: {  	s3 =	rddreg [dreg:$0x2]  }
0x4: {  	s0 =	srdreg.scid;
	s4 =	rddreg [dreg:$0x3]  }
0x5: {  	s5 =	simm.s32 $0x0;
	s21 =	simm.s32 $0x17C00;
	s22 =	simm.s32 $0x4F00  }
0x6: {  	s23 =	simm.s32 $0x1;
	s7 =	sand.u32 $0x1, s0;
	s0 =	stileid.u32  }
0x7: {  	s24 =	simm.s32 $0x2;
	s25 =	simm.s32 $0x9D00;
	s9 =	smul.u32 $0x9E00, s0  }
0x8: {  	s26 =	simm.s32 $0x9D80;
	s28 =	simm.s32 $0x0;
	s10 =	smul.u32 $0x2780, s0  }
0x9: {  	[smem:$0x7FF] =	sst s5;
	s2 =	sshll.u32 s7, $0x4;
	s11 =	smul.u32 $0x278, s0  }
0xa: {  	s14 =	smul.u32 $0x2780, s7;
	s7 =	ssub.s32 $0x2, s7;
	s18 =	sshll.u32 s0, $0x6  }
0xb: {  	s2 =	sor.u32 s0, s2;
	s16 =	sshrl.u32 s7, $0x1;
	s18 =	sor.u32 $0x1C03, s18  }
0xc: {  	s6 =	smul.u32 $0x9E0, s2;
	s2 =	rddreg [dreg:$0x4];
	_ =	strace $0x80000047  }
0xd: {  	s12 =	sshrl.u32 s9, $0x3;
	s13 =	sshrl.u32 s10, $0x3;
	s11 =	sadd.s32 s11, s14  }
0xe: {  	s16 =	ssub.s32 s7, s16;
	s19 =	sadd.s32 s9, s3;
	s20 =	sadd.s32 s10, s4  }
0xf: {  	s12 =	sadd.s32 s12, s8;
	s13 =	sadd.s32 s13, s8;
	s14 =	sshll.u32 s11, $0x3  }
0x10: {  	s11 =	sshll.u32 s11, $0x1;
	s19 =	sshrl.u32 s19, $0x3;
	s20 =	sshrl.u32 s20, $0x3  }
0x11: {  	s15 =	sadd.s32 s6, s8;
	s6 =	sadd.s32 $0x2A400, s8;
	s14 =	sadd.s32 s14, s8  }
0x12: {  	s17 =	sadd.s32 s11, s8;
	s8 =	sadd.s32 $0x2F600, s12;
	s9 =	sadd.s32 $0x2A600, s13  }
0x13: {  	s13 =	smax.u32 s16, $0x1;
	s16 =	simm.s32 $0x9E00;
	s7 =	sadd.s32 $0x2C00, s15  }
0x14: {  	s10 =	sadd.s32 $0x16800, s15;
	s11 =	sadd.s32 $0x43200, s14;
	s12 =	sadd.s32 $0x6AA00, s17  }
0x15: {  	s14 =	simm.s32 $0x3;
	s15 =	simm.s32 $0x80;
	s17 =	simm.s32 $0xBE00  }
.LBB2_1:
0x16: {  	[tilespmem:s5], [sflag:$0x3] =	stream.linear.gather [hbm4b:s7+s5], $0x4F00, $0x38;
	[tilespmem:$0x1AB80] =	vst v63  }
0x17: {  	_ =	swait.ge [sflag:s14], $0x4F00  }
0x18: {  	[sflag:s14] =	ssyncset.done $0x0  }
0x19: {  	[sflag:s14] =	ssyncadd.s32 $0xFFFFB100  }
0x1a: {  	[tilespmem:s16], [sflag:$0x1] =	stream.indirect.gather [hbm4b:s1+s15], $0x40, s5, s15, $0xb8;
	[tilespmem:$0x1AB80] =	vst v63  }
0x1b: {  	_ = 	snop  }
0x1c: {  	[tilespmem:s17], [sflag:$0x2] =	stream.indirect.gather [hbm4b:s1+s15], $0x40, s15, s15, $0xb8;
	[tilespmem:$0x1AB80] =	vst v63  }
0x1d: {  	[spmem:s19], [sflag:s18] =	dma.local [hbm:s8], $0x13C0  }
0x1e: {  	_ =	swait.ge [sflag:s14], $0x13C0  }
0x1f: {  	[sflag:s14] =	ssyncset.done $0x0  }
0x20: {  	[sflag:s14] =	ssyncadd.s32 $0xFFFFEC40  }
0x21: {  	[spmem:s20], [sflag:s18] =	dma.local [hbm:s9], $0x4F0  }
0x22: {  	_ =	swait.ge [sflag:s14], $0x4F0  }
0x23: {  	[sflag:s14] =	ssyncset.done $0x0  }
0x24: {  	[sflag:s14] =	ssyncadd.s32 $0xFFFFFB10  }
0x25: {  	[tilespmem:s21], [sflag:$0x3] =	stream.linear.gather [hbm4b:s6+s5], $0x800, $0x38;
	[tilespmem:$0x1AB80] =	vst v63  }
0x26: {  	_ =	swait.ge [sflag:s14], $0x800  }
0x27: {  	[sflag:s14] =	ssyncset.done $0x0  }
0x28: {  	[sflag:s14] =	ssyncadd.s32 $0xFFFFF800  }
0x29: {  	[tilespmem:s22], [sflag:$0x3] =	stream.linear.gather [hbm4b:s10+s5], $0x4F00, $0x38;
	[tilespmem:$0x1AB80] =	vst v63  }
0x2a: {  	_ =	swait.ge [sflag:s14], $0x4F00  }
0x2b: {  	[sflag:s14] =	ssyncset.done $0x0  }
0x2c: {  	[sflag:s14] =	ssyncadd.s32 $0xFFFFB100  }
0x2d: {  	[bflag:$0x0] =	sbarrier.arrive $0xFFFF  }
0x2e: {  	_ =	swait.ge [sflag:s23], $0x2000  }
0x2f: {  	[sflag:s23] =	ssyncset.done $0x0  }
0x30: {  	s29 =	simm.s32 $0x4F00;
	[sflag:s23] =	ssyncadd.s32 $0xFFFFE000  }
0x31: {  	[spmem:s3] =	stream.indirect.scatter.add.f32 [tilespmem:s16], [sflag:$0x3], $0x40, s29, s15, $0xb8;
	[tilespmem:$0x1AB80] =	vst v63  }
0x32: {  	_ =	swait.ge [sflag:s14], $0x2000  }
0x33: {  	[sflag:s14] =	ssyncset.done $0x0  }
0x34: {  	[sflag:s14] =	ssyncadd.s32 $0xFFFFE000  }
0x35: {  	[spmem:s4] =	stream.indirect.scatter.add.f32 [tilespmem:s21], [sflag:$0x3], $0x10, s29, s15, $0xb8;
	[tilespmem:$0x1AB80] =	vst v63  }
0x36: {  	_ =	swait.ge [sflag:s14], $0x800  }
0x37: {  	[sflag:s14] =	ssyncset.done $0x0  }
0x38: {  	s29 =	simm.s32 $0x100;
	[sflag:s14] =	ssyncadd.s32 $0xFFFFF800  }
0x39: {  	[tilespmem:s16], [sflag:$0x1] =	stream.indirect.gather [hbm4b:s1+s15], $0x40, s29, s15, $0xb8;
	[tilespmem:$0x1AB80] =	vst v63  }
0x3a: {  	_ =	swait.ge [sflag:s24], $0x2000  }
0x3b: {  	[sflag:s24] =	ssyncset.done $0x0  }
0x3c: {  	s29 =	simm.s32 $0x4F80;
	[sflag:s24] =	ssyncadd.s32 $0xFFFFE000  }
0x3d: {  	[spmem:s3] =	stream.indirect.scatter.add.f32 [tilespmem:s17], [sflag:$0x3], $0x40, s29, s15, $0xb8;
	[tilespmem:$0x1AB80] =	vst v63  }
0x3e: {  	_ =	swait.ge [sflag:s14], $0x2000  }
0x3f: {  	[sflag:s14] =	ssyncset.done $0x0  }
0x40: {  	[sflag:s14] =	ssyncadd.s32 $0xFFFFE000  }
0x41: {  	[spmem:s4] =	stream.indirect.scatter.add.f32 [tilespmem:s21], [sflag:$0x3], $0x10, s29, s15, $0xb8;
	[tilespmem:$0x1AB80] =	vst v63  }
0x42: {  	_ =	swait.ge [sflag:s14], $0x800  }
0x43: {  	[sflag:s14] =	ssyncset.done $0x0  }
0x44: {  	s30 =	simm.s32 $0x180;
	s29 =	simm.s32 $0x400;
	[sflag:s14] =	ssyncadd.s32 $0xFFFFF800  }
.LBB2_2:
0x45: {  	[tilespmem:s17], [sflag:$0x2] =	stream.indirect.gather [hbm4b:s1+s15], $0x40, s30, s15, $0xb8;
	[tilespmem:$0x1AB80] =	vst v63  }
0x46: {  	s30 =	smov.u32 s29  }
0x47: {  	p0 =	sne.s32 s29, $0x13400;
	s29 =	sadd.s32 $0x400, s29;
	_ =	swait.ge [sflag:s23], $0x2000  }
0x48: {  	s30 =	sshra.s32 s30, $0x2;
	[sflag:s23] =	ssyncset.done $0x0  }
0x49: {  	s31 =	sadd.s32 $0x4F00, s30;
	[sflag:s23] =	ssyncadd.s32 $0xFFFFE000  }
0x4a: {  	[spmem:s3] =	stream.indirect.scatter.add.f32 [tilespmem:s16], [sflag:$0x3], $0x40, s31, s15, $0xb8;
	[tilespmem:$0x1AB80] =	vst v63  }
0x4b: {  	_ =	swait.ge [sflag:s14], $0x2000  }
0x4c: {  	[sflag:s14] =	ssyncset.done $0x0  }
0x4d: {  	[sflag:s14] =	ssyncadd.s32 $0xFFFFE000  }
0x4e: {  	[spmem:s4] =	stream.indirect.scatter.add.f32 [tilespmem:s21], [sflag:$0x3], $0x10, s31, s15, $0xb8;
	[tilespmem:$0x1AB80] =	vst v63  }
0x4f: {  	_ =	swait.ge [sflag:s14], $0x800  }
0x50: {  	[sflag:s14] =	ssyncset.done $0x0  }
0x51: {  	s31 =	sadd.s32 $0x100, s30;
	[sflag:s14] =	ssyncadd.s32 $0xFFFFF800  }
0x52: {  	[tilespmem:s16], [sflag:$0x1] =	stream.indirect.gather [hbm4b:s1+s15], $0x40, s31, s15, $0xb8;
	[tilespmem:$0x1AB80] =	vst v63  }
0x53: {  	_ =	swait.ge [sflag:s24], $0x2000  }
0x54: {  	[sflag:s24] =	ssyncset.done $0x0  }
0x55: {  	s31 =	sadd.s32 $0x4F80, s30;
	[sflag:s24] =	ssyncadd.s32 $0xFFFFE000  }
0x56: {  	[spmem:s3] =	stream.indirect.scatter.add.f32 [tilespmem:s17], [sflag:$0x3], $0x40, s31, s15, $0xb8;
	[tilespmem:$0x1AB80] =	vst v63  }
0x57: {  	_ =	swait.ge [sflag:s14], $0x2000  }
0x58: {  	[sflag:s14] =	ssyncset.done $0x0  }
.Ltmp0:
0x59: {  	[sflag:s14] =	ssyncadd.s32 $0xFFFFE000;
	(pc) =	sbr.rel @p0 .LBB2_2-.Ltmp0, $4  }
0x5a: {  	[spmem:s4] =	stream.indirect.scatter.add.f32 [tilespmem:s21], [sflag:$0x3], $0x10, s31, s15, $0xb8;
	[tilespmem:$0x1AB80] =	vst v63  }
0x5b: {  	_ =	swait.ge [sflag:s14], $0x800  }
0x5c: {  	[sflag:s14] =	ssyncset.done $0x0  }
0x5d: {  	s30 =	sadd.s32 $0x180, s30;
	[sflag:s14] =	ssyncadd.s32 $0xFFFFF800  }
0x5e: {  	[tilespmem:s17], [sflag:$0x2] =	stream.indirect.gather [hbm4b:s1+s15], $0x40, s30, s15, $0xb8;
	[tilespmem:$0x1AB80] =	vst v63  }
0x5f: {  	_ =	swait.ge [sflag:s23], $0x2000  }
0x60: {  	[sflag:s23] =	ssyncset.done $0x0  }
0x61: {  	[sflag:s23] =	ssyncadd.s32 $0xFFFFE000  }
0x62: {  	[spmem:s3] =	stream.indirect.scatter.add.f32 [tilespmem:s16], [sflag:$0x3], $0x40, s25, s15, $0xb8;
	[tilespmem:$0x1AB80] =	vst v63  }
0x63: {  	_ =	swait.ge [sflag:s14], $0x2000  }
0x64: {  	[sflag:s14] =	ssyncset.done $0x0  }
0x65: {  	[sflag:s14] =	ssyncadd.s32 $0xFFFFE000  }
0x66: {  	[spmem:s4] =	stream.indirect.scatter.add.f32 [tilespmem:s21], [sflag:$0x3], $0x10, s25, s15, $0xb8;
	[tilespmem:$0x1AB80] =	vst v63  }
0x67: {  	_ =	swait.ge [sflag:s14], $0x800  }
0x68: {  	[sflag:s14] =	ssyncset.done $0x0  }
0x69: {  	[sflag:s14] =	ssyncadd.s32 $0xFFFFF800  }
0x6a: {  	_ =	swait.ge [sflag:s24], $0x2000  }
0x6b: {  	[sflag:s24] =	ssyncset.done $0x0  }
0x6c: {  	[sflag:s24] =	ssyncadd.s32 $0xFFFFE000  }
0x6d: {  	[spmem:s3] =	stream.indirect.scatter.add.f32 [tilespmem:s17], [sflag:$0x3], $0x40, s26, s15, $0xb8;
	[tilespmem:$0x1AB80] =	vst v63  }
0x6e: {  	_ =	swait.ge [sflag:s14], $0x2000  }
0x6f: {  	[sflag:s14] =	ssyncset.done $0x0  }
0x70: {  	[sflag:s14] =	ssyncadd.s32 $0xFFFFE000  }
0x71: {  	[spmem:s4] =	stream.indirect.scatter.add.f32 [tilespmem:s21], [sflag:$0x3], $0x10, s26, s15, $0xb8;
	[tilespmem:$0x1AB80] =	vst v63  }
0x72: {  	_ =	swait.ge [sflag:s14], $0x800  }
0x73: {  	[sflag:s14] =	ssyncset.done $0x0  }
0x74: {  	[sflag:s14] =	ssyncadd.s32 $0xFFFFF800  }
0x75: {  	[bflag:$0x0] =	sbarrier.arrive $0xFFFF  }
0x76: {  	[hbm:s11], [sflag:s18] =	dma.local [spmem:s19], $0x13C0  }
0x77: {  	s28 =	sadd.s32 $0x1, s28;
	_ =	swait.ge [sflag:s14], $0x13C0  }
0x78: {  	p0 =	sne.s32 s28, s13;
	[sflag:s14] =	ssyncset.done $0x0  }
.Ltmp1:
0x79: {  	[sflag:s14] =	ssyncadd.s32 $0xFFFFEC40;
	(pc) =	sbr.rel @p0 .LBB2_1-.Ltmp1, $4  }
0x7a: {  	[hbm:s12], [sflag:s18] =	dma.local [spmem:s20], $0x4F0  }
0x7b: {  	_ =	swait.ge [sflag:s14], $0x4F0  }
0x7c: {  	[sflag:s14] =	ssyncset.done $0x0  }
0x7d: {  	[sflag:s14] =	ssyncadd.s32 $0xFFFFFB10  }
0x7e: {  	_ =	sfence.sel $0x180000  }
0x7f: {  	[bflag:$0x0] =	sbarrier.arrive $0xFFFF  }
0x80: {  	p0 =	sne.s32 s0, $0x0;
	_ =	strace $0x90000047  }
0x81: {  	s0 =	sadd.s32 @!p0 $0x100000, s2;
	[bflag:$0x2] =	sbarrier.arrive $0xFFFF  }
0x82: {  	[sflag:s0] =	ssyncadd.tile.s32 @!p0 $0x1;
	_ =	shalt  }
.Lfunc_end2:
_tile_overlayer_lowered:
.L_overlay_start_2:
0x83: {  	(tag) =	ssettag $0x2  }
0x84: {  	s0 =	rddreg [dreg:$0x0];
	s2 =	stileid.u32  }
0x85: {  	s1 =	rddreg [dreg:$0x1];
	p0 =	sne.s32 s2, $0x0  }
0x86: {  	s3 =	rddreg [dreg:$0x2];
	[bflag:$0x3] =	sbarrier.arrive $0xFFFF;
	s2 =	simm.s32 @!p0 $0x1C03  }
0x87: {  	[timem:s3], [sflag:s2] =	dma.local @!p0 [hbm:s0], s1  }
0x88: {  	s0 =	simm.s32 @!p0 $0x3  }
0x89: {  	_ =	swait.ge @!p0 [sflag:s0], s1  }
0x8a: {  	s1 =	ssub.s32 @!p0 $0x0, s1;
	[sflag:s0] =	ssyncset.done @!p0 $0x0  }
0x8b: {  	[sflag:s0] =	ssyncadd.s32 @!p0 s1  }
0x8c: {  	[bflag:$0x3] =	sbarrier.arrive $0xFFFF  }
0x8d: {  	_ =	shalt  }

</sc_bundles>
